<compile_context>
chip_gen: v7x
topology: tpu7x:2x2x1
jax: 0.10.2.dev20260603
libtpu: 0.0.44.dev20260713+nightly
codegen_flags: <defaults>
</compile_context>

<pallas_src>
import functools

import jax
import jax.numpy as jnp
from jax import lax
from jax.experimental import pallas as pl
from jax.experimental.pallas import tpu as pltpu
from jax.experimental.pallas import tpu_sc as plsc

B, H, W = 4, 512, 512
N = B * H * W
BH = 256
NH = H // BH
ACC_L = 128

NBINS = 512
CEMAX = 24.0
SCALE = NBINS / CEMAX
NW = 32
LANES = 16
CHUNK = N // NW
CHUNKW = CHUNK // 2


def _tc_body(inp_ref, train_ref, tr_ref, tcl_ref, radii_ref, sin_ref,
             cos_ref, km_ref, bm_ref, acc_ref, ce_ref):
    h = pl.program_id(1)

    x0 = inp_ref[0, 0]
    x1 = inp_ref[0, 1]
    x2 = inp_ref[0, 2]
    x3 = inp_ref[0, 3]
    x4 = inp_ref[0, 4]
    x5 = inp_ref[0, 5]
    x6 = inp_ref[0, 6]
    x7 = inp_ref[0, 7]
    train = train_ref[0]
    tr = tr_ref[0]
    tcl = tcl_ref[0]

    pos = (tr * train) > 0
    posf = pos.astype(jnp.float32)
    neg = ((1 - tr) * train) > 0
    negf = neg.astype(jnp.float32)

    def ce(a, b, t):
        mx = jnp.maximum(a, b)
        lse = mx + jnp.log(jnp.exp(a - mx) + jnp.exp(b - mx))
        return lse - jnp.where(t > 0, b, a)

    ce_tr = ce(x0, x1, tr)
    ce_tcl = ce(x2, x3, tcl)

    n_pos = jnp.sum(posf)
    loss_pos = jnp.sum(ce_tr * posf)
    n_neg = jnp.sum(negf)
    sum_tcl = jnp.sum(ce_tcl * posf)

    tclposf = ((tcl * train) > 0).astype(jnp.float32)
    n_tclpos = jnp.sum(tclposf)

    inv = lax.rsqrt(x4 * x4 + x5 * x5 + 1e-8)
    sp = x4 * inv
    cp = x5 * inv

    def sl1(p, t):
        d = jnp.abs(p - t)
        return jnp.where(d < (1.0 / 9.0), 4.5 * d * d, d - (0.5 / 9.0))

    l1r = jnp.sum(sl1(x6, radii_ref[0]) * tclposf)
    l1s = jnp.sum(sl1(sp, sin_ref[0]) * tclposf)
    l1c = jnp.sum(sl1(cp, cos_ref[0]) * tclposf)

    sig = 1.0 / (1.0 + jnp.exp(-x7))
    mb = ((train * bm_ref[0]) > 0).astype(jnp.float32)
    tgt = (km_ref[0] > 0).astype(jnp.float32)
    da = jnp.sum(sig * tgt * mb)
    db = jnp.sum(sig * sig * mb)
    dc = jnp.sum(tgt * mb)

    ce_b = jnp.where(neg, ce_tr, -1.0).astype(jnp.bfloat16)
    u16 = lax.bitcast_convert_type(ce_b, jnp.uint16)
    lo = u16[: BH // 2, :].astype(jnp.uint32)
    hi = u16[BH // 2:, :].astype(jnp.uint32)
    ce_ref[0] = lo | (hi << 16)

    ii = lax.broadcasted_iota(jnp.int32, (1, 1, ACC_L), 2)
    vals = (n_pos, loss_pos, n_neg, sum_tcl, n_tclpos, l1r, l1s, l1c,
            da, db, dc)
    vec = jnp.zeros((1, 1, ACC_L), jnp.float32)
    for q, v in enumerate(vals):
        vec = vec + jnp.where(ii == q, v, 0.0)

    @pl.when(h == 0)
    def _():
        acc_ref[...] = vec

    @pl.when(h != 0)
    def _():
        acc_ref[...] = acc_ref[...] + vec


def _tc_call(inputs, train_mask, tr_mask, tcl_mask, radii_map, sin_map,
             cos_map, kernel_mask, border_mask, interpret=False):
    map_spec = pl.BlockSpec((1, BH, W), lambda b, h: (b, h, 0))
    return pl.pallas_call(
        _tc_body,
        grid=(B, NH),
        in_specs=[pl.BlockSpec((1, 8, BH, W), lambda b, h: (b, 0, h, 0))]
        + [map_spec] * 8,
        out_specs=[
            pl.BlockSpec((1, 1, ACC_L), lambda b, h: (b, 0, 0)),
            pl.BlockSpec((1, BH // 2, W), lambda b, h: (b, h, 0)),
        ],
        out_shape=[
            jax.ShapeDtypeStruct((B, 1, ACC_L), jnp.float32),
            jax.ShapeDtypeStruct((B, H // 2, W), jnp.uint32),
        ],
        interpret=interpret,
    )(inputs, train_mask, tr_mask, tcl_mask, radii_map, sin_map, cos_map,
      kernel_mask, border_mask)


UNROLL = 12


def _sc_hist_body(ce_hbm, cnt_hbm, sum_hbm, data_v, hc_v, hs_v):
    c = lax.axis_index("c")
    s = lax.axis_index("s")
    wid = s * 2 + c
    base = wid * CHUNKW
    pltpu.sync_copy(ce_hbm.at[pl.ds(base, CHUNKW)], data_v)

    zero16 = jnp.zeros((LANES,), jnp.float32)

    @plsc.parallel_loop(0, NBINS // LANES, unroll=4)
    def _(i):
        hc_v[pl.ds(i * LANES, LANES)] = zero16
        hs_v[pl.ds(i * LANES, LANES)] = zero16

    ones = jnp.ones((LANES,), jnp.float32)

    @plsc.parallel_loop(0, CHUNKW // LANES, unroll=UNROLL)
    def _(i):
        vp = plsc.bitcast(data_v[pl.ds(i * LANES, LANES)], jnp.bfloat16)
        for v in plsc.unpack(vp, format=plsc.PackFormat.INTERLEAVED):
            msk = v >= 0.0
            bi = jnp.minimum((jnp.maximum(v, 0.0) * SCALE)
                             .astype(jnp.int32), NBINS - 1)
            plsc.addupdate_scatter(hc_v, [bi], ones, mask=msk)
            plsc.addupdate_scatter(hs_v, [bi], v, mask=msk)

    pltpu.sync_copy(hc_v, cnt_hbm.at[wid])
    pltpu.sync_copy(hs_v, sum_hbm.at[wid])


@functools.cache
def _sc_hist():
    return pl.kernel(
        _sc_hist_body,
        out_type=[
            jax.ShapeDtypeStruct((NW, NBINS), jnp.float32),
            jax.ShapeDtypeStruct((NW, NBINS), jnp.float32),
        ],
        mesh=plsc.VectorSubcoreMesh(core_axis_name="c",
                                    subcore_axis_name="s"),
        compiler_params=pltpu.CompilerParams(needs_layout_passes=False),
        scratch_types=[
            pltpu.VMEM((CHUNKW,), jnp.uint32),
            pltpu.VMEM((NBINS,), jnp.float32),
            pltpu.VMEM((NBINS,), jnp.float32),
        ],
    )


def _assemble(acc, cnt_rows, sum_rows):
    acc = acc.reshape(B, ACC_L)
    tot = jnp.sum(acc, axis=0)
    n_pos = tot[0]
    loss_pos = tot[1]
    n_neg_tot = tot[2]
    sum_tcl = tot[3]
    n_tclpos = tot[4]
    l1r, l1s, l1c = tot[5], tot[6], tot[7]
    da = acc[:, 8]
    db = acc[:, 9] + 0.001
    dc = acc[:, 10] + 0.001

    cnt = jnp.sum(cnt_rows, axis=0)
    sm = jnp.sum(sum_rows, axis=0)

    k = jnp.where(n_pos > 0, jnp.minimum(n_neg_tot, 3.0 * n_pos), 100.0)
    cum_incl = jnp.cumsum(cnt)
    total_cnt = cum_incl[-1]
    cum_above = total_cnt - cum_incl
    r = jnp.clip(k - cum_above, 0.0, cnt)
    contrib = jnp.where(r >= cnt, sm,
                        r * (sm / jnp.maximum(cnt, 1.0)))
    top_sum = jnp.sum(contrib) + jnp.maximum(k - total_cnt, 0.0) * (-1e30)

    loss_tr = (loss_pos + top_sum) / (n_pos + k)
    loss_tcl = sum_tcl / (n_pos + 1e-6)
    loss_radii = l1r / (n_tclpos + 1e-6)
    loss_sin = l1s / (n_tclpos + 1e-6)
    loss_cos = l1c / (n_tclpos + 1e-6)
    loss_kernel = jnp.mean(1.0 - 2.0 * da / (db + dc))
    return loss_tr + loss_tcl + loss_radii + loss_sin + loss_cos + loss_kernel


def kernel(inputs, train_mask, tr_mask, tcl_mask, radii_map, sin_map,
           cos_map, kernel_mask, border_mask):
    acc, ce_neg = _tc_call(inputs, train_mask, tr_mask, tcl_mask, radii_map,
                           sin_map, cos_map, kernel_mask, border_mask)
    cnt_rows, sum_rows = _sc_hist()(ce_neg.reshape(-1))
    return _assemble(acc, cnt_rows, sum_rows)

# --- scband reference (transcript-rebuilt; emitter-appended) ---
"""Pipeline reference for scband-text-loss-22883585753548 (READ-ONLY COPY).

The authoritative reference and input builder live on the scoring server;
editing this copy changes nothing except your own understanding.
"""

import jax, jax.numpy as jnp
import numpy as np


def _ce(pred2, tgt):
    lse = jax.nn.logsumexp(pred2, axis=1)
    picked = jnp.take_along_axis(pred2, tgt[:, None].astype(jnp.int32), axis=1)[:, 0]
    return lse - picked


def _smooth_l1_masked(pred, tgt, mask, sigma=9.0):
    diff = jnp.abs(pred - tgt)
    less_one = (diff < 1.0 / sigma).astype(jnp.float32)
    loss = less_one * 0.5 * diff ** 2 * sigma + (1.0 - less_one) * (diff - 0.5 / sigma)
    return jnp.sum(loss * mask) / (jnp.sum(mask) + 1e-6)


def _dice(inp, tgt, mask):
    inp = jax.nn.sigmoid(inp).reshape(inp.shape[0], -1)
    tgt = (tgt > 0.5).astype(jnp.float32).reshape(tgt.shape[0], -1)
    mask = mask.reshape(mask.shape[0], -1)
    inp = inp * mask
    tgt = tgt * mask
    a = jnp.sum(inp * tgt, 1)
    b = jnp.sum(inp * inp, 1) + 0.001
    c = jnp.sum(tgt * tgt, 1) + 0.001
    return 1.0 - 2.0 * a / (b + c)


def setup_inputs(seed: int = 0) -> dict:
    key = jax.random.key(seed)
    ks = jax.random.split(key, 9)
    B, H, W = 4, 512, 512
    return {
        "inputs": jax.random.normal(ks[0], (B, 8, H, W), dtype=jnp.float32),
        "train_mask": jax.random.randint(ks[1], (B, H, W), 0, 2, dtype=jnp.int32),
        "tr_mask": jax.random.randint(ks[2], (B, H, W), 0, 2, dtype=jnp.int32),
        "tcl_mask": jax.random.randint(ks[3], (B, H, W), 0, 2, dtype=jnp.int32),
        "radii_map": jax.random.uniform(ks[4], (B, H, W), dtype=jnp.float32),
        "sin_map": jax.random.normal(ks[5], (B, H, W), dtype=jnp.float32),
        "cos_map": jax.random.normal(ks[6], (B, H, W), dtype=jnp.float32),
        "kernel_mask": jax.random.randint(ks[7], (B, H, W), 0, 2, dtype=jnp.int32),
        "border_mask": jax.random.randint(ks[8], (B, H, W), 0, 2, dtype=jnp.int32),
    }


def reference(inputs, train_mask, tr_mask, tcl_mask, radii_map, sin_map, cos_map, kernel_mask, border_mask):
    tmf = train_mask.astype(jnp.float32)
    tr_pred = inputs[:, 0:2].transpose(0, 2, 3, 1).reshape(-1, 2)
    tcl_pred = inputs[:, 2:4].transpose(0, 2, 3, 1).reshape(-1, 2)
    sin_pred = inputs[:, 4]
    cos_pred = inputs[:, 5]
    scale = 1.0 / jnp.sqrt(sin_pred ** 2 + cos_pred ** 2 + 1e-8)
    sin_pred = sin_pred * scale
    cos_pred = cos_pred * scale
    radii_pred = inputs[:, 6]
    kernel_pred = inputs[:, 7]

    tr_t = tr_mask.reshape(-1)
    m = train_mask.reshape(-1)
    pos = (tr_t * m) > 0
    neg = ((1 - tr_t) * m) > 0
    ce_tr = _ce(tr_pred, tr_t)
    n_pos = jnp.sum(pos)
    loss_pos = jnp.sum(jnp.where(pos, ce_tr, 0.0))
    n_neg = jnp.where(n_pos > 0, jnp.minimum(jnp.sum(neg), 3 * n_pos), 100)
    neg_losses = jnp.where(neg, ce_tr, -1e30)
    sorted_neg = jnp.sort(neg_losses)[::-1]
    top_sum = jnp.sum(jnp.where(jnp.arange(sorted_neg.shape[0]) < n_neg, sorted_neg, 0.0))
    loss_tr = (loss_pos + top_sum) / (n_pos + n_neg).astype(jnp.float32)

    tcl_t = tcl_mask.reshape(-1)
    tr_region = ((tr_t * m) > 0).astype(jnp.float32)
    ce_tcl = _ce(tcl_pred, tcl_t)
    loss_tcl = jnp.sum(ce_tcl * tr_region) / (jnp.sum(tr_region) + 1e-6)

    tcl_pos = ((tcl_mask * train_mask) > 0).astype(jnp.float32)
    loss_radii = _smooth_l1_masked(radii_pred, radii_map, tcl_pos)
    loss_sin = _smooth_l1_masked(sin_pred, sin_map, tcl_pos)
    loss_cos = _smooth_l1_masked(cos_pred, cos_map, tcl_pos)

    loss_kernel = jnp.mean(_dice(kernel_pred, kernel_mask.astype(jnp.float32), tmf * border_mask.astype(jnp.float32)))

    return loss_tr + loss_tcl + loss_radii + loss_sin + loss_cos + loss_kernel

if __name__ == "__main__":
    import jax
    _d = setup_inputs()
    print(jax.jit(kernel)(*tuple(_d.values())))

</pallas_src>

<mosaic_0001>
#map = affine_map<(d0, d1) -> (0)>
#map1 = affine_map<(d0, d1) -> (0, 0)>
module attributes {stable_mosaic.version = 14 : i64} {
  func.func @_sc_hist_body(%arg0: i32, %arg1: i32, %arg2: memref<524288xi32, #tpu.memory_space<hbm>>, %arg3: memref<32x512xf32, #tpu.memory_space<hbm>>, %arg4: memref<32x512xf32, #tpu.memory_space<hbm>>, %arg5: memref<16384xi32, #tpu.memory_space<vmem>>, %arg6: memref<512xf32, #tpu.memory_space<vmem>>, %arg7: memref<512xf32, #tpu.memory_space<vmem>>) attributes {dimension_semantics = [#tpu.dimension_semantics<core_parallel>, #tpu.dimension_semantics<subcore_parallel>], iteration_bounds = array<i64: 2, 16>, scalar_prefetch = 0 : i64, scratch_operands = 3 : i64, tpu.core_type = #tpu.core_type<sc_vector_subcore>, window_params = [{transform_indices = #map}, {transform_indices = #map1}, {transform_indices = #map1}]} {
    %mul3A = arith.constant 2 : i32
    %mul3A_0 = arith.muli %arg1, %mul3A : i32
    %add3A = arith.addi %mul3A_0, %arg0 : i32
    %mul3A_1 = arith.constant 16384 : i32
    %mul3A_2 = arith.muli %add3A, %mul3A_1 : i32
    "tpu.region"() ({
      %run_scoped3A = tpu.sem_alloc : memref<!tpu.dma_semaphore, #tpu.memory_space<semaphore_mem>>
      %dma_start3A = tpu.memref_slice %arg2[%mul3A_2] : memref<524288xi32, #tpu.memory_space<hbm>> -> memref<16384xi32, #tpu.memory_space<hbm>>
      %dma_start3A_11 = tpu.memref_slice %arg2[%mul3A_2] : memref<524288xi32, #tpu.memory_space<hbm>> -> memref<16384xi32, #tpu.memory_space<hbm>>
      tpu.enqueue_dma source(%dma_start3A_11 : memref<16384xi32, #tpu.memory_space<hbm>>) target(%arg5 : memref<16384xi32, #tpu.memory_space<vmem>>) target_semaphore(%run_scoped3A : memref<!tpu.dma_semaphore, #tpu.memory_space<semaphore_mem>>)
      %dma_wait3A = tpu.memref_slice %arg2[%mul3A_2] : memref<524288xi32, #tpu.memory_space<hbm>> -> memref<16384xi32, #tpu.memory_space<hbm>>
      %dma_wait3A_12 = tpu.memref_slice %arg2[%mul3A_2] : memref<524288xi32, #tpu.memory_space<hbm>> -> memref<16384xi32, #tpu.memory_space<hbm>>
      tpu.wait_dma2 semaphore(%run_scoped3A : memref<!tpu.dma_semaphore, #tpu.memory_space<semaphore_mem>>) src(%dma_wait3A_12 : memref<16384xi32, #tpu.memory_space<hbm>>) dst(%arg5 : memref<16384xi32, #tpu.memory_space<vmem>>)
      tpu.yield
    }) : () -> ()
    %broadcast_in_dim3A = arith.constant 0.000000e+00 : f32
    %broadcast_in_dim3A_3 = vector.broadcast %broadcast_in_dim3A : f32 to vector<16xf32>
    %parallel_loop3A = arith.constant 0 : i32
    %parallel_loop3A_4 = arith.constant 32 : i32
    %parallel_loop3A_5 = arith.constant 1 : i32
    scf.for %parallel_loop3A_11 = %parallel_loop3A to %parallel_loop3A_4 step %parallel_loop3A_5  : i32 {
      %parallel_loop3A_12 = arith.constant 16 : i32
      %parallel_loop3A_13 = arith.muli %parallel_loop3A_11, %parallel_loop3A_12 : i32
      %parallel_loop3A_14 = arith.index_cast %parallel_loop3A_13 : i32 to index
      %parallel_loop3A_15 = tpu.vector_load %arg6[%parallel_loop3A_14] {strides = array<i32>} : memref<512xf32, #tpu.memory_space<vmem>>, vector<16xf32>,
      tpu.vector_store %arg6[%parallel_loop3A_14], %broadcast_in_dim3A_3 {strides = array<i32>} : memref<512xf32, #tpu.memory_space<vmem>>, vector<16xf32>,
      %parallel_loop3A_16 = arith.constant 16 : i32
      %parallel_loop3A_17 = arith.muli %parallel_loop3A_11, %parallel_loop3A_16 : i32
      %parallel_loop3A_18 = arith.index_cast %parallel_loop3A_17 : i32 to index
      %parallel_loop3A_19 = tpu.vector_load %arg7[%parallel_loop3A_18] {strides = array<i32>} : memref<512xf32, #tpu.memory_space<vmem>>, vector<16xf32>,
      tpu.vector_store %arg7[%parallel_loop3A_18], %broadcast_in_dim3A_3 {strides = array<i32>} : memref<512xf32, #tpu.memory_space<vmem>>, vector<16xf32>,
    } {sc.loop_unroll_factor = 4 : i64, sc.parallel_access}
    %broadcast_in_dim3A_6 = arith.constant 1.000000e+00 : f32
    %broadcast_in_dim3A_7 = vector.broadcast %broadcast_in_dim3A_6 : f32 to vector<16xf32>
    %parallel_loop3A_8 = arith.constant 0 : i32
    %parallel_loop3A_9 = arith.constant 1024 : i32
    %parallel_loop3A_10 = arith.constant 1 : i32
    scf.for %parallel_loop3A_11 = %parallel_loop3A_8 to %parallel_loop3A_9 step %parallel_loop3A_10  : i32 {
      %parallel_loop3A_12 = arith.constant 16 : i32
      %parallel_loop3A_13 = arith.muli %parallel_loop3A_11, %parallel_loop3A_12 : i32
      %parallel_loop3A_14 = arith.index_cast %parallel_loop3A_13 : i32 to index
      %parallel_loop3A_15 = tpu.vector_load %arg5[%parallel_loop3A_14] {strides = array<i32>} : memref<16384xi32, #tpu.memory_space<vmem>>, vector<16xi32>,
      %parallel_loop3A_16 = vector.bitcast %parallel_loop3A_15 : vector<16xi32> to vector<32xbf16>
      %parallel_loop3A_17 = tpu.unpack_subelements %parallel_loop3A_16, 0 {pack_format = #tpu.pack_format<interleaved>} : vector<32xbf16> -> vector<16xf32>
      %parallel_loop3A_18 = tpu.unpack_subelements %parallel_loop3A_16, 1 {pack_format = #tpu.pack_format<interleaved>} : vector<32xbf16> -> vector<16xf32>
      %parallel_loop3A_19 = arith.constant 0.000000e+00 : f32
      %parallel_loop3A_20 = vector.broadcast %parallel_loop3A_19 : f32 to vector<16xf32>
      %parallel_loop3A_21 = arith.cmpf oge, %parallel_loop3A_17, %parallel_loop3A_20 : vector<16xf32>
      %parallel_loop3A_22 = arith.constant 0.000000e+00 : f32
      %parallel_loop3A_23 = vector.broadcast %parallel_loop3A_22 : f32 to vector<16xf32>
      %parallel_loop3A_24 = arith.maximumf %parallel_loop3A_17, %parallel_loop3A_23 : vector<16xf32>
      %parallel_loop3A_25 = arith.constant 21.333334 : f32
      %parallel_loop3A_26 = vector.broadcast %parallel_loop3A_25 : f32 to vector<16xf32>
      %parallel_loop3A_27 = arith.mulf %parallel_loop3A_24, %parallel_loop3A_26 : vector<16xf32>
      %parallel_loop3A_28 = arith.fptosi %parallel_loop3A_27 : vector<16xf32> to vector<16xi32>
      %parallel_loop3A_29 = arith.constant 511 : i32
      %parallel_loop3A_30 = vector.broadcast %parallel_loop3A_29 : i32 to vector<16xi32>
      %parallel_loop3A_31 = arith.minsi %parallel_loop3A_28, %parallel_loop3A_30 : vector<16xi32>
      tpu.vector_store_idx %arg6[%parallel_loop3A_31], %broadcast_in_dim3A_7 masked %parallel_loop3A_21 {add = true} : memref<512xf32, #tpu.memory_space<vmem>>[vector<16xi32>], vector<16xf32>, vector<16xi1>
      tpu.vector_store_idx %arg7[%parallel_loop3A_31], %parallel_loop3A_17 masked %parallel_loop3A_21 {add = true} : memref<512xf32, #tpu.memory_space<vmem>>[vector<16xi32>], vector<16xf32>, vector<16xi1>
      %parallel_loop3A_32 = arith.constant 0.000000e+00 : f32
      %parallel_loop3A_33 = vector.broadcast %parallel_loop3A_32 : f32 to vector<16xf32>
      %parallel_loop3A_34 = arith.cmpf oge, %parallel_loop3A_18, %parallel_loop3A_33 : vector<16xf32>
      %parallel_loop3A_35 = arith.constant 0.000000e+00 : f32
      %parallel_loop3A_36 = vector.broadcast %parallel_loop3A_35 : f32 to vector<16xf32>
      %parallel_loop3A_37 = arith.maximumf %parallel_loop3A_18, %parallel_loop3A_36 : vector<16xf32>
      %parallel_loop3A_38 = arith.constant 21.333334 : f32
      %parallel_loop3A_39 = vector.broadcast %parallel_loop3A_38 : f32 to vector<16xf32>
      %parallel_loop3A_40 = arith.mulf %parallel_loop3A_37, %parallel_loop3A_39 : vector<16xf32>
      %parallel_loop3A_41 = arith.fptosi %parallel_loop3A_40 : vector<16xf32> to vector<16xi32>
      %parallel_loop3A_42 = arith.constant 511 : i32
      %parallel_loop3A_43 = vector.broadcast %parallel_loop3A_42 : i32 to vector<16xi32>
      %parallel_loop3A_44 = arith.minsi %parallel_loop3A_41, %parallel_loop3A_43 : vector<16xi32>
      tpu.vector_store_idx %arg6[%parallel_loop3A_44], %broadcast_in_dim3A_7 masked %parallel_loop3A_34 {add = true} : memref<512xf32, #tpu.memory_space<vmem>>[vector<16xi32>], vector<16xf32>, vector<16xi1>
      tpu.vector_store_idx %arg7[%parallel_loop3A_44], %parallel_loop3A_18 masked %parallel_loop3A_34 {add = true} : memref<512xf32, #tpu.memory_space<vmem>>[vector<16xi32>], vector<16xf32>, vector<16xi1>
    } {sc.loop_unroll_factor = 12 : i64, sc.parallel_access}
    "tpu.region"() ({
      %run_scoped3A = tpu.sem_alloc : memref<!tpu.dma_semaphore, #tpu.memory_space<semaphore_mem>>
      %dma_start3A = arith.constant 0 : i32
      %dma_start3A_11 = tpu.memref_slice %arg3[%add3A, %dma_start3A] : memref<32x512xf32, #tpu.memory_space<hbm>> -> memref<1x512xf32, #tpu.memory_space<hbm>>
      %dma_start3A_12 = tpu.memref_squeeze %dma_start3A_11 : memref<1x512xf32, #tpu.memory_space<hbm>> -> memref<512xf32, #tpu.memory_space<hbm>>
      %dma_start3A_13 = arith.constant 0 : i32
      %dma_start3A_14 = tpu.memref_slice %arg3[%add3A, %dma_start3A_13] : memref<32x512xf32, #tpu.memory_space<hbm>> -> memref<1x512xf32, #tpu.memory_space<hbm>>
      %dma_start3A_15 = tpu.memref_squeeze %dma_start3A_14 : memref<1x512xf32, #tpu.memory_space<hbm>> -> memref<512xf32, #tpu.memory_space<hbm>>
      tpu.enqueue_dma source(%arg6 : memref<512xf32, #tpu.memory_space<vmem>>) target(%dma_start3A_15 : memref<512xf32, #tpu.memory_space<hbm>>) target_semaphore(%run_scoped3A : memref<!tpu.dma_semaphore, #tpu.memory_space<semaphore_mem>>)
      %dma_wait3A = arith.constant 0 : i32
      %dma_wait3A_16 = tpu.memref_slice %arg3[%add3A, %dma_wait3A] : memref<32x512xf32, #tpu.memory_space<hbm>> -> memref<1x512xf32, #tpu.memory_space<hbm>>
      %dma_wait3A_17 = tpu.memref_squeeze %dma_wait3A_16 : memref<1x512xf32, #tpu.memory_space<hbm>> -> memref<512xf32, #tpu.memory_space<hbm>>
      %dma_wait3A_18 = arith.constant 0 : i32
      %dma_wait3A_19 = tpu.memref_slice %arg3[%add3A, %dma_wait3A_18] : memref<32x512xf32, #tpu.memory_space<hbm>> -> memref<1x512xf32, #tpu.memory_space<hbm>>
      %dma_wait3A_20 = tpu.memref_squeeze %dma_wait3A_19 : memref<1x512xf32, #tpu.memory_space<hbm>> -> memref<512xf32, #tpu.memory_space<hbm>>
      tpu.wait_dma2 semaphore(%run_scoped3A : memref<!tpu.dma_semaphore, #tpu.memory_space<semaphore_mem>>) src(%arg6 : memref<512xf32, #tpu.memory_space<vmem>>) dst(%dma_wait3A_20 : memref<512xf32, #tpu.memory_space<hbm>>)
      tpu.yield
    }) : () -> ()
    "tpu.region"() ({
      %run_scoped3A = tpu.sem_alloc : memref<!tpu.dma_semaphore, #tpu.memory_space<semaphore_mem>>
      %dma_start3A = arith.constant 0 : i32
      %dma_start3A_11 = tpu.memref_slice %arg4[%add3A, %dma_start3A] : memref<32x512xf32, #tpu.memory_space<hbm>> -> memref<1x512xf32, #tpu.memory_space<hbm>>
      %dma_start3A_12 = tpu.memref_squeeze %dma_start3A_11 : memref<1x512xf32, #tpu.memory_space<hbm>> -> memref<512xf32, #tpu.memory_space<hbm>>
      %dma_start3A_13 = arith.constant 0 : i32
      %dma_start3A_14 = tpu.memref_slice %arg4[%add3A, %dma_start3A_13] : memref<32x512xf32, #tpu.memory_space<hbm>> -> memref<1x512xf32, #tpu.memory_space<hbm>>
      %dma_start3A_15 = tpu.memref_squeeze %dma_start3A_14 : memref<1x512xf32, #tpu.memory_space<hbm>> -> memref<512xf32, #tpu.memory_space<hbm>>
      tpu.enqueue_dma source(%arg7 : memref<512xf32, #tpu.memory_space<vmem>>) target(%dma_start3A_15 : memref<512xf32, #tpu.memory_space<hbm>>) target_semaphore(%run_scoped3A : memref<!tpu.dma_semaphore, #tpu.memory_space<semaphore_mem>>)
      %dma_wait3A = arith.constant 0 : i32
      %dma_wait3A_16 = tpu.memref_slice %arg4[%add3A, %dma_wait3A] : memref<32x512xf32, #tpu.memory_space<hbm>> -> memref<1x512xf32, #tpu.memory_space<hbm>>
      %dma_wait3A_17 = tpu.memref_squeeze %dma_wait3A_16 : memref<1x512xf32, #tpu.memory_space<hbm>> -> memref<512xf32, #tpu.memory_space<hbm>>
      %dma_wait3A_18 = arith.constant 0 : i32
      %dma_wait3A_19 = tpu.memref_slice %arg4[%add3A, %dma_wait3A_18] : memref<32x512xf32, #tpu.memory_space<hbm>> -> memref<1x512xf32, #tpu.memory_space<hbm>>
      %dma_wait3A_20 = tpu.memref_squeeze %dma_wait3A_19 : memref<1x512xf32, #tpu.memory_space<hbm>> -> memref<512xf32, #tpu.memory_space<hbm>>
      tpu.wait_dma2 semaphore(%run_scoped3A : memref<!tpu.dma_semaphore, #tpu.memory_space<semaphore_mem>>) src(%arg7 : memref<512xf32, #tpu.memory_space<vmem>>) dst(%dma_wait3A_20 : memref<512xf32, #tpu.memory_space<hbm>>)
      tpu.yield
    }) : () -> ()
    return
  }
}

module attributes {stable_mosaic.version = 14 : i64} {
  func.func @_tc_body(%arg0: i32, %arg1: i32, %arg2: memref<1x8x256x512xf32, #tpu.memory_space<vmem>>, %arg3: memref<1x256x512xi32, #tpu.memory_space<vmem>>, %arg4: memref<1x256x512xi32, #tpu.memory_space<vmem>>, %arg5: memref<1x256x512xi32, #tpu.memory_space<vmem>>, %arg6: memref<1x256x512xf32, #tpu.memory_space<vmem>>, %arg7: memref<1x256x512xf32, #tpu.memory_space<vmem>>, %arg8: memref<1x256x512xf32, #tpu.memory_space<vmem>>, %arg9: memref<1x256x512xi32, #tpu.memory_space<vmem>>, %arg10: memref<1x256x512xi32, #tpu.memory_space<vmem>>, %arg11: memref<1x1x128xf32, #tpu.memory_space<vmem>>, %arg12: memref<1x128x512xi32, #tpu.memory_space<vmem>>) attributes {dimension_semantics = [#tpu.dimension_semantics<arbitrary>, #tpu.dimension_semantics<arbitrary>], iteration_bounds = array<i64: 4, 2>, scalar_prefetch = 0 : i64, scratch_operands = 0 : i64, tpu.core_type = #tpu.core_type<tc>, window_params = [{transform_indices = @transform_0, window_bounds = array<i64: 1, 8, 256, 512>}, {transform_indices = @transform_1, window_bounds = array<i64: 1, 256, 512>}, {transform_indices = @transform_2, window_bounds = array<i64: 1, 256, 512>}, {transform_indices = @transform_3, window_bounds = array<i64: 1, 256, 512>}, {transform_indices = @transform_4, window_bounds = array<i64: 1, 256, 512>}, {transform_indices = @transform_5, window_bounds = array<i64: 1, 256, 512>}, {transform_indices = @transform_6, window_bounds = array<i64: 1, 256, 512>}, {transform_indices = @transform_7, window_bounds = array<i64: 1, 256, 512>}, {transform_indices = @transform_8, window_bounds = array<i64: 1, 256, 512>}, {transform_indices = @transform_9, window_bounds = array<i64: 1, 1, 128>}, {transform_indices = @transform_10, window_bounds = array<i64: 1, 128, 512>}]} {
    %get3A = arith.constant 0 : index
    %get3A_0 = arith.constant 0 : index
    %get3A_1 = arith.constant 0 : index
    %get3A_2 = arith.constant 0 : index
    %get3A_3 = vector.load %arg2[%get3A, %get3A_0, %get3A_1, %get3A_2] : memref<1x8x256x512xf32, #tpu.memory_space<vmem>>, vector<1x1x256x512xf32>
    %get3A_4 = vector.shape_cast %get3A_3 : vector<1x1x256x512xf32> to vector<256x512xf32>
    %get3A_5 = arith.constant 0 : index
    %get3A_6 = arith.constant 1 : index
    %get3A_7 = arith.constant 0 : index
    %get3A_8 = arith.constant 0 : index
    %get3A_9 = vector.load %arg2[%get3A_5, %get3A_6, %get3A_7, %get3A_8] : memref<1x8x256x512xf32, #tpu.memory_space<vmem>>, vector<1x1x256x512xf32>
    %get3A_10 = vector.shape_cast %get3A_9 : vector<1x1x256x512xf32> to vector<256x512xf32>
    %get3A_11 = arith.constant 0 : index
    %get3A_12 = arith.constant 2 : index
    %get3A_13 = arith.constant 0 : index
    %get3A_14 = arith.constant 0 : index
    %get3A_15 = vector.load %arg2[%get3A_11, %get3A_12, %get3A_13, %get3A_14] : memref<1x8x256x512xf32, #tpu.memory_space<vmem>>, vector<1x1x256x512xf32>
    %get3A_16 = vector.shape_cast %get3A_15 : vector<1x1x256x512xf32> to vector<256x512xf32>
    %get3A_17 = arith.constant 0 : index
    %get3A_18 = arith.constant 3 : index
    %get3A_19 = arith.constant 0 : index
    %get3A_20 = arith.constant 0 : index
    %get3A_21 = vector.load %arg2[%get3A_17, %get3A_18, %get3A_19, %get3A_20] : memref<1x8x256x512xf32, #tpu.memory_space<vmem>>, vector<1x1x256x512xf32>
    %get3A_22 = vector.shape_cast %get3A_21 : vector<1x1x256x512xf32> to vector<256x512xf32>
    %get3A_23 = arith.constant 0 : index
    %get3A_24 = arith.constant 4 : index
    %get3A_25 = arith.constant 0 : index
    %get3A_26 = arith.constant 0 : index
    %get3A_27 = vector.load %arg2[%get3A_23, %get3A_24, %get3A_25, %get3A_26] : memref<1x8x256x512xf32, #tpu.memory_space<vmem>>, vector<1x1x256x512xf32>
    %get3A_28 = vector.shape_cast %get3A_27 : vector<1x1x256x512xf32> to vector<256x512xf32>
    %get3A_29 = arith.constant 0 : index
    %get3A_30 = arith.constant 5 : index
    %get3A_31 = arith.constant 0 : index
    %get3A_32 = arith.constant 0 : index
    %get3A_33 = vector.load %arg2[%get3A_29, %get3A_30, %get3A_31, %get3A_32] : memref<1x8x256x512xf32, #tpu.memory_space<vmem>>, vector<1x1x256x512xf32>
    %get3A_34 = vector.shape_cast %get3A_33 : vector<1x1x256x512xf32> to vector<256x512xf32>
    %get3A_35 = arith.constant 0 : index
    %get3A_36 = arith.constant 6 : index
    %get3A_37 = arith.constant 0 : index
    %get3A_38 = arith.constant 0 : index
    %get3A_39 = vector.load %arg2[%get3A_35, %get3A_36, %get3A_37, %get3A_38] : memref<1x8x256x512xf32, #tpu.memory_space<vmem>>, vector<1x1x256x512xf32>
    %get3A_40 = vector.shape_cast %get3A_39 : vector<1x1x256x512xf32> to vector<256x512xf32>
    %get3A_41 = arith.constant 0 : index
    %get3A_42 = arith.constant 7 : index
    %get3A_43 = arith.constant 0 : index
    %get3A_44 = arith.constant 0 : index
    %get3A_45 = vector.load %arg2[%get3A_41, %get3A_42, %get3A_43, %get3A_44] : memref<1x8x256x512xf32, #tpu.memory_space<vmem>>, vector<1x1x256x512xf32>
    %get3A_46 = vector.shape_cast %get3A_45 : vector<1x1x256x512xf32> to vector<256x512xf32>
    %get3A_47 = arith.constant 0 : index
    %get3A_48 = arith.constant 0 : index
    %get3A_49 = arith.constant 0 : index
    %get3A_50 = vector.load %arg3[%get3A_47, %get3A_48, %get3A_49] : memref<1x256x512xi32, #tpu.memory_space<vmem>>, vector<1x256x512xi32>
    %get3A_51 = vector.shape_cast %get3A_50 : vector<1x256x512xi32> to vector<256x512xi32>
    %get3A_52 = arith.constant 0 : index
    %get3A_53 = arith.constant 0 : index
    %get3A_54 = arith.constant 0 : index
    %get3A_55 = vector.load %arg4[%get3A_52, %get3A_53, %get3A_54] : memref<1x256x512xi32, #tpu.memory_space<vmem>>, vector<1x256x512xi32>
    %get3A_56 = vector.shape_cast %get3A_55 : vector<1x256x512xi32> to vector<256x512xi32>
    %get3A_57 = arith.constant 0 : index
    %get3A_58 = arith.constant 0 : index
    %get3A_59 = arith.constant 0 : index
    %get3A_60 = vector.load %arg5[%get3A_57, %get3A_58, %get3A_59] : memref<1x256x512xi32, #tpu.memory_space<vmem>>, vector<1x256x512xi32>
    %get3A_61 = vector.shape_cast %get3A_60 : vector<1x256x512xi32> to vector<256x512xi32>
    %mul3A = arith.muli %get3A_56, %get3A_51 : vector<256x512xi32>
    %gt3A = arith.constant 0 : i32
    %gt3A_62 = vector.broadcast %gt3A : i32 to vector<256x512xi32>
    %gt3A_63 = arith.cmpi sgt, %mul3A, %gt3A_62 : vector<256x512xi32>
    %convert_element_type3A = arith.extui %gt3A_63 : vector<256x512xi1> to vector<256x512xi32>
    %convert_element_type3A_64 = arith.sitofp %convert_element_type3A : vector<256x512xi32> to vector<256x512xf32>
    %sub3A = arith.constant 1 : i32
    %sub3A_65 = vector.broadcast %sub3A : i32 to vector<256x512xi32>
    %sub3A_66 = arith.subi %sub3A_65, %get3A_56 : vector<256x512xi32>
    %mul3A_67 = arith.muli %sub3A_66, %get3A_51 : vector<256x512xi32>
    %gt3A_68 = arith.constant 0 : i32
    %gt3A_69 = vector.broadcast %gt3A_68 : i32 to vector<256x512xi32>
    %gt3A_70 = arith.cmpi sgt, %mul3A_67, %gt3A_69 : vector<256x512xi32>
    %convert_element_type3A_71 = arith.extui %gt3A_70 : vector<256x512xi1> to vector<256x512xi32>
    %convert_element_type3A_72 = arith.sitofp %convert_element_type3A_71 : vector<256x512xi32> to vector<256x512xf32>
    %max3A = arith.maximumf %get3A_4, %get3A_10 : vector<256x512xf32>
    %sub3A_73 = arith.subf %get3A_4, %max3A : vector<256x512xf32>
    %exp3A = math.exp %sub3A_73 : vector<256x512xf32>
    %sub3A_74 = arith.subf %get3A_10, %max3A : vector<256x512xf32>
    %exp3A_75 = math.exp %sub3A_74 : vector<256x512xf32>
    %add3A = arith.addf %exp3A, %exp3A_75 : vector<256x512xf32>
    %log3A = math.log %add3A : vector<256x512xf32>
    %add3A_76 = arith.addf %max3A, %log3A : vector<256x512xf32>
    %gt3A_77 = arith.constant 0 : i32
    %gt3A_78 = vector.broadcast %gt3A_77 : i32 to vector<256x512xi32>
    %gt3A_79 = arith.cmpi sgt, %get3A_56, %gt3A_78 : vector<256x512xi32>
    %select_n3A = arith.select %gt3A_79, %get3A_10, %get3A_4 : vector<256x512xi1>, vector<256x512xf32>
    %sub3A_80 = arith.subf %add3A_76, %select_n3A : vector<256x512xf32>
    %max3A_81 = arith.maximumf %get3A_16, %get3A_22 : vector<256x512xf32>
    %sub3A_82 = arith.subf %get3A_16, %max3A_81 : vector<256x512xf32>
    %exp3A_83 = math.exp %sub3A_82 : vector<256x512xf32>
    %sub3A_84 = arith.subf %get3A_22, %max3A_81 : vector<256x512xf32>
    %exp3A_85 = math.exp %sub3A_84 : vector<256x512xf32>
    %add3A_86 = arith.addf %exp3A_83, %exp3A_85 : vector<256x512xf32>
    %log3A_87 = math.log %add3A_86 : vector<256x512xf32>
    %add3A_88 = arith.addf %max3A_81, %log3A_87 : vector<256x512xf32>
    %gt3A_89 = arith.constant 0 : i32
    %gt3A_90 = vector.broadcast %gt3A_89 : i32 to vector<256x512xi32>
    %gt3A_91 = arith.cmpi sgt, %get3A_61, %gt3A_90 : vector<256x512xi32>
    %select_n3A_92 = arith.select %gt3A_91, %get3A_22, %get3A_16 : vector<256x512xi1>, vector<256x512xf32>
    %sub3A_93 = arith.subf %add3A_88, %select_n3A_92 : vector<256x512xf32>
    %reduce_sum3A = vector.shape_cast %convert_element_type3A_64 : vector<256x512xf32> to vector<1x256x512xf32>
    %reduce_sum3A_94 = arith.constant dense<0.000000e+00> : vector<1xf32>
    %reduce_sum3A_95 = vector.multi_reduction <add>, %reduce_sum3A, %reduce_sum3A_94 [1, 2] : vector<1x256x512xf32> to vector<1xf32>
    %reduce_sum3A_96 = vector.shape_cast %reduce_sum3A_95 : vector<1xf32> to vector<1x1x1xf32>
    %reduce_sum3A_97 = vector.extract %reduce_sum3A_96[0, 0, 0] : f32 from vector<1x1x1xf32>
    %mul3A_98 = arith.mulf %sub3A_80, %convert_element_type3A_64 : vector<256x512xf32>
    %reduce_sum3A_99 = vector.shape_cast %mul3A_98 : vector<256x512xf32> to vector<1x256x512xf32>
    %reduce_sum3A_100 = arith.constant dense<0.000000e+00> : vector<1xf32>
    %reduce_sum3A_101 = vector.multi_reduction <add>, %reduce_sum3A_99, %reduce_sum3A_100 [1, 2] : vector<1x256x512xf32> to vector<1xf32>
    %reduce_sum3A_102 = vector.shape_cast %reduce_sum3A_101 : vector<1xf32> to vector<1x1x1xf32>
    %reduce_sum3A_103 = vector.extract %reduce_sum3A_102[0, 0, 0] : f32 from vector<1x1x1xf32>
    %reduce_sum3A_104 = vector.shape_cast %convert_element_type3A_72 : vector<256x512xf32> to vector<1x256x512xf32>
    %reduce_sum3A_105 = arith.constant dense<0.000000e+00> : vector<1xf32>
    %reduce_sum3A_106 = vector.multi_reduction <add>, %reduce_sum3A_104, %reduce_sum3A_105 [1, 2] : vector<1x256x512xf32> to vector<1xf32>
    %reduce_sum3A_107 = vector.shape_cast %reduce_sum3A_106 : vector<1xf32> to vector<1x1x1xf32>
    %reduce_sum3A_108 = vector.extract %reduce_sum3A_107[0, 0, 0] : f32 from vector<1x1x1xf32>
    %mul3A_109 = arith.mulf %sub3A_93, %convert_element_type3A_64 : vector<256x512xf32>
    %reduce_sum3A_110 = vector.shape_cast %mul3A_109 : vector<256x512xf32> to vector<1x256x512xf32>
    %reduce_sum3A_111 = arith.constant dense<0.000000e+00> : vector<1xf32>
    %reduce_sum3A_112 = vector.multi_reduction <add>, %reduce_sum3A_110, %reduce_sum3A_111 [1, 2] : vector<1x256x512xf32> to vector<1xf32>
    %reduce_sum3A_113 = vector.shape_cast %reduce_sum3A_112 : vector<1xf32> to vector<1x1x1xf32>
    %reduce_sum3A_114 = vector.extract %reduce_sum3A_113[0, 0, 0] : f32 from vector<1x1x1xf32>
    %mul3A_115 = arith.muli %get3A_61, %get3A_51 : vector<256x512xi32>
    %gt3A_116 = arith.constant 0 : i32
    %gt3A_117 = vector.broadcast %gt3A_116 : i32 to vector<256x512xi32>
    %gt3A_118 = arith.cmpi sgt, %mul3A_115, %gt3A_117 : vector<256x512xi32>
    %convert_element_type3A_119 = arith.extui %gt3A_118 : vector<256x512xi1> to vector<256x512xi32>
    %convert_element_type3A_120 = arith.sitofp %convert_element_type3A_119 : vector<256x512xi32> to vector<256x512xf32>
    %reduce_sum3A_121 = vector.shape_cast %convert_element_type3A_120 : vector<256x512xf32> to vector<1x256x512xf32>
    %reduce_sum3A_122 = arith.constant dense<0.000000e+00> : vector<1xf32>
    %reduce_sum3A_123 = vector.multi_reduction <add>, %reduce_sum3A_121, %reduce_sum3A_122 [1, 2] : vector<1x256x512xf32> to vector<1xf32>
    %reduce_sum3A_124 = vector.shape_cast %reduce_sum3A_123 : vector<1xf32> to vector<1x1x1xf32>
    %reduce_sum3A_125 = vector.extract %reduce_sum3A_124[0, 0, 0] : f32 from vector<1x1x1xf32>
    %mul3A_126 = arith.mulf %get3A_28, %get3A_28 : vector<256x512xf32>
    %mul3A_127 = arith.mulf %get3A_34, %get3A_34 : vector<256x512xf32>
    %add3A_128 = arith.addf %mul3A_126, %mul3A_127 : vector<256x512xf32>
    %add3A_129 = arith.constant 9.99999993E-9 : f32
    %add3A_130 = vector.broadcast %add3A_129 : f32 to vector<256x512xf32>
    %add3A_131 = arith.addf %add3A_128, %add3A_130 : vector<256x512xf32>
    %rsqrt3A = math.rsqrt %add3A_131 : vector<256x512xf32>
    %mul3A_132 = arith.mulf %get3A_28, %rsqrt3A : vector<256x512xf32>
    %mul3A_133 = arith.mulf %get3A_34, %rsqrt3A : vector<256x512xf32>
    %get3A_134 = arith.constant 0 : index
    %get3A_135 = arith.constant 0 : index
    %get3A_136 = arith.constant 0 : index
    %get3A_137 = vector.load %arg6[%get3A_134, %get3A_135, %get3A_136] : memref<1x256x512xf32, #tpu.memory_space<vmem>>, vector<1x256x512xf32>
    %get3A_138 = vector.shape_cast %get3A_137 : vector<1x256x512xf32> to vector<256x512xf32>
    %sub3A_139 = arith.subf %get3A_40, %get3A_138 : vector<256x512xf32>
    %abs3A = math.absf %sub3A_139 : vector<256x512xf32>
    %lt3A = arith.constant 0.111111112 : f32
    %lt3A_140 = vector.broadcast %lt3A : f32 to vector<256x512xf32>
    %lt3A_141 = arith.cmpf olt, %abs3A, %lt3A_140 : vector<256x512xf32>
    %mul3A_142 = arith.constant 4.500000e+00 : f32
    %mul3A_143 = vector.broadcast %mul3A_142 : f32 to vector<256x512xf32>
    %mul3A_144 = arith.mulf %mul3A_143, %abs3A : vector<256x512xf32>
    %mul3A_145 = arith.mulf %mul3A_144, %abs3A : vector<256x512xf32>
    %sub3A_146 = arith.constant 0.055555556 : f32
    %sub3A_147 = vector.broadcast %sub3A_146 : f32 to vector<256x512xf32>
    %sub3A_148 = arith.subf %abs3A, %sub3A_147 : vector<256x512xf32>
    %select_n3A_149 = arith.select %lt3A_141, %mul3A_145, %sub3A_148 : vector<256x512xi1>, vector<256x512xf32>
    %mul3A_150 = arith.mulf %select_n3A_149, %convert_element_type3A_120 : vector<256x512xf32>
    %reduce_sum3A_151 = vector.shape_cast %mul3A_150 : vector<256x512xf32> to vector<1x256x512xf32>
    %reduce_sum3A_152 = arith.constant dense<0.000000e+00> : vector<1xf32>
    %reduce_sum3A_153 = vector.multi_reduction <add>, %reduce_sum3A_151, %reduce_sum3A_152 [1, 2] : vector<1x256x512xf32> to vector<1xf32>
    %reduce_sum3A_154 = vector.shape_cast %reduce_sum3A_153 : vector<1xf32> to vector<1x1x1xf32>
    %reduce_sum3A_155 = vector.extract %reduce_sum3A_154[0, 0, 0] : f32 from vector<1x1x1xf32>
    %get3A_156 = arith.constant 0 : index
    %get3A_157 = arith.constant 0 : index
    %get3A_158 = arith.constant 0 : index
    %get3A_159 = vector.load %arg7[%get3A_156, %get3A_157, %get3A_158] : memref<1x256x512xf32, #tpu.memory_space<vmem>>, vector<1x256x512xf32>
    %get3A_160 = vector.shape_cast %get3A_159 : vector<1x256x512xf32> to vector<256x512xf32>
    %sub3A_161 = arith.subf %mul3A_132, %get3A_160 : vector<256x512xf32>
    %abs3A_162 = math.absf %sub3A_161 : vector<256x512xf32>
    %lt3A_163 = arith.constant 0.111111112 : f32
    %lt3A_164 = vector.broadcast %lt3A_163 : f32 to vector<256x512xf32>
    %lt3A_165 = arith.cmpf olt, %abs3A_162, %lt3A_164 : vector<256x512xf32>
    %mul3A_166 = arith.constant 4.500000e+00 : f32
    %mul3A_167 = vector.broadcast %mul3A_166 : f32 to vector<256x512xf32>
    %mul3A_168 = arith.mulf %mul3A_167, %abs3A_162 : vector<256x512xf32>
    %mul3A_169 = arith.mulf %mul3A_168, %abs3A_162 : vector<256x512xf32>
    %sub3A_170 = arith.constant 0.055555556 : f32
    %sub3A_171 = vector.broadcast %sub3A_170 : f32 to vector<256x512xf32>
    %sub3A_172 = arith.subf %abs3A_162, %sub3A_171 : vector<256x512xf32>
    %select_n3A_173 = arith.select %lt3A_165, %mul3A_169, %sub3A_172 : vector<256x512xi1>, vector<256x512xf32>
    %mul3A_174 = arith.mulf %select_n3A_173, %convert_element_type3A_120 : vector<256x512xf32>
    %reduce_sum3A_175 = vector.shape_cast %mul3A_174 : vector<256x512xf32> to vector<1x256x512xf32>
    %reduce_sum3A_176 = arith.constant dense<0.000000e+00> : vector<1xf32>
    %reduce_sum3A_177 = vector.multi_reduction <add>, %reduce_sum3A_175, %reduce_sum3A_176 [1, 2] : vector<1x256x512xf32> to vector<1xf32>
    %reduce_sum3A_178 = vector.shape_cast %reduce_sum3A_177 : vector<1xf32> to vector<1x1x1xf32>
    %reduce_sum3A_179 = vector.extract %reduce_sum3A_178[0, 0, 0] : f32 from vector<1x1x1xf32>
    %get3A_180 = arith.constant 0 : index
    %get3A_181 = arith.constant 0 : index
    %get3A_182 = arith.constant 0 : index
    %get3A_183 = vector.load %arg8[%get3A_180, %get3A_181, %get3A_182] : memref<1x256x512xf32, #tpu.memory_space<vmem>>, vector<1x256x512xf32>
    %get3A_184 = vector.shape_cast %get3A_183 : vector<1x256x512xf32> to vector<256x512xf32>
    %sub3A_185 = arith.subf %mul3A_133, %get3A_184 : vector<256x512xf32>
    %abs3A_186 = math.absf %sub3A_185 : vector<256x512xf32>
    %lt3A_187 = arith.constant 0.111111112 : f32
    %lt3A_188 = vector.broadcast %lt3A_187 : f32 to vector<256x512xf32>
    %lt3A_189 = arith.cmpf olt, %abs3A_186, %lt3A_188 : vector<256x512xf32>
    %mul3A_190 = arith.constant 4.500000e+00 : f32
    %mul3A_191 = vector.broadcast %mul3A_190 : f32 to vector<256x512xf32>
    %mul3A_192 = arith.mulf %mul3A_191, %abs3A_186 : vector<256x512xf32>
    %mul3A_193 = arith.mulf %mul3A_192, %abs3A_186 : vector<256x512xf32>
    %sub3A_194 = arith.constant 0.055555556 : f32
    %sub3A_195 = vector.broadcast %sub3A_194 : f32 to vector<256x512xf32>
    %sub3A_196 = arith.subf %abs3A_186, %sub3A_195 : vector<256x512xf32>
    %select_n3A_197 = arith.select %lt3A_189, %mul3A_193, %sub3A_196 : vector<256x512xi1>, vector<256x512xf32>
    %mul3A_198 = arith.mulf %select_n3A_197, %convert_element_type3A_120 : vector<256x512xf32>
    %reduce_sum3A_199 = vector.shape_cast %mul3A_198 : vector<256x512xf32> to vector<1x256x512xf32>
    %reduce_sum3A_200 = arith.constant dense<0.000000e+00> : vector<1xf32>
    %reduce_sum3A_201 = vector.multi_reduction <add>, %reduce_sum3A_199, %reduce_sum3A_200 [1, 2] : vector<1x256x512xf32> to vector<1xf32>
    %reduce_sum3A_202 = vector.shape_cast %reduce_sum3A_201 : vector<1xf32> to vector<1x1x1xf32>
    %reduce_sum3A_203 = vector.extract %reduce_sum3A_202[0, 0, 0] : f32 from vector<1x1x1xf32>
    %neg3A = arith.constant 0.000000e+00 : f32
    %neg3A_204 = vector.broadcast %neg3A : f32 to vector<256x512xf32>
    %neg3A_205 = arith.subf %neg3A_204, %get3A_46 : vector<256x512xf32>
    %exp3A_206 = math.exp %neg3A_205 : vector<256x512xf32>
    %add3A_207 = arith.constant 1.000000e+00 : f32
    %add3A_208 = vector.broadcast %add3A_207 : f32 to vector<256x512xf32>
    %add3A_209 = arith.addf %add3A_208, %exp3A_206 : vector<256x512xf32>
    %div3A = arith.constant 1.000000e+00 : f32
    %div3A_210 = vector.broadcast %div3A : f32 to vector<256x512xf32>
    %div3A_211 = arith.divf %div3A_210, %add3A_209 : vector<256x512xf32>
    %get3A_212 = arith.constant 0 : index
    %get3A_213 = arith.constant 0 : index
    %get3A_214 = arith.constant 0 : index
    %get3A_215 = vector.load %arg10[%get3A_212, %get3A_213, %get3A_214] : memref<1x256x512xi32, #tpu.memory_space<vmem>>, vector<1x256x512xi32>
    %get3A_216 = vector.shape_cast %get3A_215 : vector<1x256x512xi32> to vector<256x512xi32>
    %mul3A_217 = arith.muli %get3A_51, %get3A_216 : vector<256x512xi32>
    %gt3A_218 = arith.constant 0 : i32
    %gt3A_219 = vector.broadcast %gt3A_218 : i32 to vector<256x512xi32>
    %gt3A_220 = arith.cmpi sgt, %mul3A_217, %gt3A_219 : vector<256x512xi32>
    %convert_element_type3A_221 = arith.extui %gt3A_220 : vector<256x512xi1> to vector<256x512xi32>
    %convert_element_type3A_222 = arith.sitofp %convert_element_type3A_221 : vector<256x512xi32> to vector<256x512xf32>
    %get3A_223 = arith.constant 0 : index
    %get3A_224 = arith.constant 0 : index
    %get3A_225 = arith.constant 0 : index
    %get3A_226 = vector.load %arg9[%get3A_223, %get3A_224, %get3A_225] : memref<1x256x512xi32, #tpu.memory_space<vmem>>, vector<1x256x512xi32>
    %get3A_227 = vector.shape_cast %get3A_226 : vector<1x256x512xi32> to vector<256x512xi32>
    %gt3A_228 = arith.constant 0 : i32
    %gt3A_229 = vector.broadcast %gt3A_228 : i32 to vector<256x512xi32>
    %gt3A_230 = arith.cmpi sgt, %get3A_227, %gt3A_229 : vector<256x512xi32>
    %convert_element_type3A_231 = arith.extui %gt3A_230 : vector<256x512xi1> to vector<256x512xi32>
    %convert_element_type3A_232 = arith.sitofp %convert_element_type3A_231 : vector<256x512xi32> to vector<256x512xf32>
    %mul3A_233 = arith.mulf %div3A_211, %convert_element_type3A_232 : vector<256x512xf32>
    %mul3A_234 = arith.mulf %mul3A_233, %convert_element_type3A_222 : vector<256x512xf32>
    %reduce_sum3A_235 = vector.shape_cast %mul3A_234 : vector<256x512xf32> to vector<1x256x512xf32>
    %reduce_sum3A_236 = arith.constant dense<0.000000e+00> : vector<1xf32>
    %reduce_sum3A_237 = vector.multi_reduction <add>, %reduce_sum3A_235, %reduce_sum3A_236 [1, 2] : vector<1x256x512xf32> to vector<1xf32>
    %reduce_sum3A_238 = vector.shape_cast %reduce_sum3A_237 : vector<1xf32> to vector<1x1x1xf32>
    %reduce_sum3A_239 = vector.extract %reduce_sum3A_238[0, 0, 0] : f32 from vector<1x1x1xf32>
    %mul3A_240 = arith.mulf %div3A_211, %div3A_211 : vector<256x512xf32>
    %mul3A_241 = arith.mulf %mul3A_240, %convert_element_type3A_222 : vector<256x512xf32>
    %reduce_sum3A_242 = vector.shape_cast %mul3A_241 : vector<256x512xf32> to vector<1x256x512xf32>
    %reduce_sum3A_243 = arith.constant dense<0.000000e+00> : vector<1xf32>
    %reduce_sum3A_244 = vector.multi_reduction <add>, %reduce_sum3A_242, %reduce_sum3A_243 [1, 2] : vector<1x256x512xf32> to vector<1xf32>
    %reduce_sum3A_245 = vector.shape_cast %reduce_sum3A_244 : vector<1xf32> to vector<1x1x1xf32>
    %reduce_sum3A_246 = vector.extract %reduce_sum3A_245[0, 0, 0] : f32 from vector<1x1x1xf32>
    %mul3A_247 = arith.mulf %convert_element_type3A_232, %convert_element_type3A_222 : vector<256x512xf32>
    %reduce_sum3A_248 = vector.shape_cast %mul3A_247 : vector<256x512xf32> to vector<1x256x512xf32>
    %reduce_sum3A_249 = arith.constant dense<0.000000e+00> : vector<1xf32>
    %reduce_sum3A_250 = vector.multi_reduction <add>, %reduce_sum3A_248, %reduce_sum3A_249 [1, 2] : vector<1x256x512xf32> to vector<1xf32>
    %reduce_sum3A_251 = vector.shape_cast %reduce_sum3A_250 : vector<1xf32> to vector<1x1x1xf32>
    %reduce_sum3A_252 = vector.extract %reduce_sum3A_251[0, 0, 0] : f32 from vector<1x1x1xf32>
    %jit3A = arith.constant -1.000000e+00 : f32
    %broadcast_in_dim3A = vector.broadcast %jit3A : f32 to vector<256x512xf32>
    %select_n3A_253 = arith.select %gt3A_70, %sub3A_80, %broadcast_in_dim3A : vector<256x512xi1>, vector<256x512xf32>
    %convert_element_type3A_254 = arith.truncf %select_n3A_253 : vector<256x512xf32> to vector<256x512xbf16>
    %bitcast_convert_type3A = tpu.bitcast %convert_element_type3A_254 : vector<256x512xbf16> -> vector<256x512xi16>
    %slice3A = vector.extract_strided_slice %bitcast_convert_type3A {offsets = [0, 0], sizes = [128, 512], strides = [1, 1]} : vector<256x512xi16> to vector<128x512xi16>
    %convert_element_type3A_255 = arith.extui %slice3A : vector<128x512xi16> to vector<128x512xi32>
    %slice3A_256 = vector.extract_strided_slice %bitcast_convert_type3A {offsets = [128, 0], sizes = [128, 512], strides = [1, 1]} : vector<256x512xi16> to vector<128x512xi16>
    %convert_element_type3A_257 = arith.extui %slice3A_256 : vector<128x512xi16> to vector<128x512xi32>
    %shift_left3A = arith.constant 16 : i32
    %shift_left3A_258 = vector.broadcast %shift_left3A : i32 to vector<128x512xi32>
    %shift_left3A_259 = arith.shli %convert_element_type3A_257, %shift_left3A_258 : vector<128x512xi32>
    %or3A = arith.ori %convert_element_type3A_255, %shift_left3A_259 : vector<128x512xi32>
    %swap3A = arith.constant 0 : index
    %swap3A_260 = arith.constant 0 : index
    %swap3A_261 = arith.constant 0 : index
    %swap3A_262 = vector.load %arg12[%swap3A, %swap3A_260, %swap3A_261] : memref<1x128x512xi32, #tpu.memory_space<vmem>>, vector<1x128x512xi32>
    %swap3A_263 = vector.shape_cast %swap3A_262 : vector<1x128x512xi32> to vector<128x512xi32>
    %swap3A_264 = vector.shape_cast %or3A : vector<128x512xi32> to vector<1x128x512xi32>
    tpu.vector_store %arg12[%swap3A, %swap3A_260, %swap3A_261], %swap3A_264 {strides = array<i32>} : memref<1x128x512xi32, #tpu.memory_space<vmem>>, vector<1x128x512xi32>,
    %iota3A = tpu.iota {dimensions = array<i32: 2>} : vector<1x1x128xi32>
    %broadcast_in_dim3A_265 = arith.constant 0.000000e+00 : f32
    %broadcast_in_dim3A_266 = vector.broadcast %broadcast_in_dim3A_265 : f32 to vector<1x1x128xf32>
    %eq3A = arith.constant 0 : i32
    %eq3A_267 = vector.broadcast %eq3A : i32 to vector<1x1x128xi32>
    %eq3A_268 = arith.cmpi eq, %iota3A, %eq3A_267 : vector<1x1x128xi32>
    %jit3A_269 = arith.constant 0.000000e+00 : f32
    %broadcast_in_dim3A_270 = vector.broadcast %reduce_sum3A_97 : f32 to vector<1x1x128xf32>
    %broadcast_in_dim3A_271 = vector.broadcast %jit3A_269 : f32 to vector<1x1x128xf32>
    %select_n3A_272 = arith.select %eq3A_268, %broadcast_in_dim3A_270, %broadcast_in_dim3A_271 : vector<1x1x128xi1>, vector<1x1x128xf32>
    %add3A_273 = arith.addf %broadcast_in_dim3A_266, %select_n3A_272 : vector<1x1x128xf32>
    %eq3A_274 = arith.constant 1 : i32
    %eq3A_275 = vector.broadcast %eq3A_274 : i32 to vector<1x1x128xi32>
    %eq3A_276 = arith.cmpi eq, %iota3A, %eq3A_275 : vector<1x1x128xi32>
    %jit3A_277 = arith.constant 0.000000e+00 : f32
    %broadcast_in_dim3A_278 = vector.broadcast %reduce_sum3A_103 : f32 to vector<1x1x128xf32>
    %broadcast_in_dim3A_279 = vector.broadcast %jit3A_277 : f32 to vector<1x1x128xf32>
    %select_n3A_280 = arith.select %eq3A_276, %broadcast_in_dim3A_278, %broadcast_in_dim3A_279 : vector<1x1x128xi1>, vector<1x1x128xf32>
    %add3A_281 = arith.addf %add3A_273, %select_n3A_280 : vector<1x1x128xf32>
    %eq3A_282 = arith.constant 2 : i32
    %eq3A_283 = vector.broadcast %eq3A_282 : i32 to vector<1x1x128xi32>
    %eq3A_284 = arith.cmpi eq, %iota3A, %eq3A_283 : vector<1x1x128xi32>
    %jit3A_285 = arith.constant 0.000000e+00 : f32
    %broadcast_in_dim3A_286 = vector.broadcast %reduce_sum3A_108 : f32 to vector<1x1x128xf32>
    %broadcast_in_dim3A_287 = vector.broadcast %jit3A_285 : f32 to vector<1x1x128xf32>
    %select_n3A_288 = arith.select %eq3A_284, %broadcast_in_dim3A_286, %broadcast_in_dim3A_287 : vector<1x1x128xi1>, vector<1x1x128xf32>
    %add3A_289 = arith.addf %add3A_281, %select_n3A_288 : vector<1x1x128xf32>
    %eq3A_290 = arith.constant 3 : i32
    %eq3A_291 = vector.broadcast %eq3A_290 : i32 to vector<1x1x128xi32>
    %eq3A_292 = arith.cmpi eq, %iota3A, %eq3A_291 : vector<1x1x128xi32>
    %jit3A_293 = arith.constant 0.000000e+00 : f32
    %broadcast_in_dim3A_294 = vector.broadcast %reduce_sum3A_114 : f32 to vector<1x1x128xf32>
    %broadcast_in_dim3A_295 = vector.broadcast %jit3A_293 : f32 to vector<1x1x128xf32>
    %select_n3A_296 = arith.select %eq3A_292, %broadcast_in_dim3A_294, %broadcast_in_dim3A_295 : vector<1x1x128xi1>, vector<1x1x128xf32>
    %add3A_297 = arith.addf %add3A_289, %select_n3A_296 : vector<1x1x128xf32>
    %eq3A_298 = arith.constant 4 : i32
    %eq3A_299 = vector.broadcast %eq3A_298 : i32 to vector<1x1x128xi32>
    %eq3A_300 = arith.cmpi eq, %iota3A, %eq3A_299 : vector<1x1x128xi32>
    %jit3A_301 = arith.constant 0.000000e+00 : f32
    %broadcast_in_dim3A_302 = vector.broadcast %reduce_sum3A_125 : f32 to vector<1x1x128xf32>
    %broadcast_in_dim3A_303 = vector.broadcast %jit3A_301 : f32 to vector<1x1x128xf32>
    %select_n3A_304 = arith.select %eq3A_300, %broadcast_in_dim3A_302, %broadcast_in_dim3A_303 : vector<1x1x128xi1>, vector<1x1x128xf32>
    %add3A_305 = arith.addf %add3A_297, %select_n3A_304 : vector<1x1x128xf32>
    %eq3A_306 = arith.constant 5 : i32
    %eq3A_307 = vector.broadcast %eq3A_306 : i32 to vector<1x1x128xi32>
    %eq3A_308 = arith.cmpi eq, %iota3A, %eq3A_307 : vector<1x1x128xi32>
    %jit3A_309 = arith.constant 0.000000e+00 : f32
    %broadcast_in_dim3A_310 = vector.broadcast %reduce_sum3A_155 : f32 to vector<1x1x128xf32>
    %broadcast_in_dim3A_311 = vector.broadcast %jit3A_309 : f32 to vector<1x1x128xf32>
    %select_n3A_312 = arith.select %eq3A_308, %broadcast_in_dim3A_310, %broadcast_in_dim3A_311 : vector<1x1x128xi1>, vector<1x1x128xf32>
    %add3A_313 = arith.addf %add3A_305, %select_n3A_312 : vector<1x1x128xf32>
    %eq3A_314 = arith.constant 6 : i32
    %eq3A_315 = vector.broadcast %eq3A_314 : i32 to vector<1x1x128xi32>
    %eq3A_316 = arith.cmpi eq, %iota3A, %eq3A_315 : vector<1x1x128xi32>
    %jit3A_317 = arith.constant 0.000000e+00 : f32
    %broadcast_in_dim3A_318 = vector.broadcast %reduce_sum3A_179 : f32 to vector<1x1x128xf32>
    %broadcast_in_dim3A_319 = vector.broadcast %jit3A_317 : f32 to vector<1x1x128xf32>
    %select_n3A_320 = arith.select %eq3A_316, %broadcast_in_dim3A_318, %broadcast_in_dim3A_319 : vector<1x1x128xi1>, vector<1x1x128xf32>
    %add3A_321 = arith.addf %add3A_313, %select_n3A_320 : vector<1x1x128xf32>
    %eq3A_322 = arith.constant 7 : i32
    %eq3A_323 = vector.broadcast %eq3A_322 : i32 to vector<1x1x128xi32>
    %eq3A_324 = arith.cmpi eq, %iota3A, %eq3A_323 : vector<1x1x128xi32>
    %jit3A_325 = arith.constant 0.000000e+00 : f32
    %broadcast_in_dim3A_326 = vector.broadcast %reduce_sum3A_203 : f32 to vector<1x1x128xf32>
    %broadcast_in_dim3A_327 = vector.broadcast %jit3A_325 : f32 to vector<1x1x128xf32>
    %select_n3A_328 = arith.select %eq3A_324, %broadcast_in_dim3A_326, %broadcast_in_dim3A_327 : vector<1x1x128xi1>, vector<1x1x128xf32>
    %add3A_329 = arith.addf %add3A_321, %select_n3A_328 : vector<1x1x128xf32>
    %eq3A_330 = arith.constant 8 : i32
    %eq3A_331 = vector.broadcast %eq3A_330 : i32 to vector<1x1x128xi32>
    %eq3A_332 = arith.cmpi eq, %iota3A, %eq3A_331 : vector<1x1x128xi32>
    %jit3A_333 = arith.constant 0.000000e+00 : f32
    %broadcast_in_dim3A_334 = vector.broadcast %reduce_sum3A_239 : f32 to vector<1x1x128xf32>
    %broadcast_in_dim3A_335 = vector.broadcast %jit3A_333 : f32 to vector<1x1x128xf32>
    %select_n3A_336 = arith.select %eq3A_332, %broadcast_in_dim3A_334, %broadcast_in_dim3A_335 : vector<1x1x128xi1>, vector<1x1x128xf32>
    %add3A_337 = arith.addf %add3A_329, %select_n3A_336 : vector<1x1x128xf32>
    %eq3A_338 = arith.constant 9 : i32
    %eq3A_339 = vector.broadcast %eq3A_338 : i32 to vector<1x1x128xi32>
    %eq3A_340 = arith.cmpi eq, %iota3A, %eq3A_339 : vector<1x1x128xi32>
    %jit3A_341 = arith.constant 0.000000e+00 : f32
    %broadcast_in_dim3A_342 = vector.broadcast %reduce_sum3A_246 : f32 to vector<1x1x128xf32>
    %broadcast_in_dim3A_343 = vector.broadcast %jit3A_341 : f32 to vector<1x1x128xf32>
    %select_n3A_344 = arith.select %eq3A_340, %broadcast_in_dim3A_342, %broadcast_in_dim3A_343 : vector<1x1x128xi1>, vector<1x1x128xf32>
    %add3A_345 = arith.addf %add3A_337, %select_n3A_344 : vector<1x1x128xf32>
    %eq3A_346 = arith.constant 10 : i32
    %eq3A_347 = vector.broadcast %eq3A_346 : i32 to vector<1x1x128xi32>
    %eq3A_348 = arith.cmpi eq, %iota3A, %eq3A_347 : vector<1x1x128xi32>
    %jit3A_349 = arith.constant 0.000000e+00 : f32
    %broadcast_in_dim3A_350 = vector.broadcast %reduce_sum3A_252 : f32 to vector<1x1x128xf32>
    %broadcast_in_dim3A_351 = vector.broadcast %jit3A_349 : f32 to vector<1x1x128xf32>
    %select_n3A_352 = arith.select %eq3A_348, %broadcast_in_dim3A_350, %broadcast_in_dim3A_351 : vector<1x1x128xi1>, vector<1x1x128xf32>
    %add3A_353 = arith.addf %add3A_345, %select_n3A_352 : vector<1x1x128xf32>
    %eq3A_354 = arith.constant 0 : i32
    %eq3A_355 = arith.cmpi eq, %arg1, %eq3A_354 : i32
    %convert_element_type3A_356 = arith.extui %eq3A_355 : i1 to i32
    %cond3A = arith.constant 0 : i32
    %cond3A_357 = arith.cmpi ne, %convert_element_type3A_356, %cond3A : i32
    scf.if %cond3A_357 {
      %swap3A_362 = arith.constant 0 : index
      %swap3A_363 = arith.constant 0 : index
      %swap3A_364 = arith.constant 0 : index
      %swap3A_365 = vector.load %arg11[%swap3A_362, %swap3A_363, %swap3A_364] : memref<1x1x128xf32, #tpu.memory_space<vmem>>, vector<1x1x128xf32>
      tpu.vector_store %arg11[%swap3A_362, %swap3A_363, %swap3A_364], %add3A_353 {strides = array<i32>} : memref<1x1x128xf32, #tpu.memory_space<vmem>>, vector<1x1x128xf32>,
    } else {
    }
    %ne3A = arith.constant 0 : i32
    %ne3A_358 = arith.cmpi ne, %arg1, %ne3A : i32
    %convert_element_type3A_359 = arith.extui %ne3A_358 : i1 to i32
    %cond3A_360 = arith.constant 0 : i32
    %cond3A_361 = arith.cmpi ne, %convert_element_type3A_359, %cond3A_360 : i32
    scf.if %cond3A_361 {
      %get3A_362 = arith.constant 0 : index
      %get3A_363 = arith.constant 0 : index
      %get3A_364 = arith.constant 0 : index
      %get3A_365 = vector.load %arg11[%get3A_362, %get3A_363, %get3A_364] : memref<1x1x128xf32, #tpu.memory_space<vmem>>, vector<1x1x128xf32>
      %add3A_366 = arith.addf %get3A_365, %add3A_353 : vector<1x1x128xf32>
      %swap3A_367 = arith.constant 0 : index
      %swap3A_368 = arith.constant 0 : index
      %swap3A_369 = arith.constant 0 : index
      %swap3A_370 = vector.load %arg11[%swap3A_367, %swap3A_368, %swap3A_369] : memref<1x1x128xf32, #tpu.memory_space<vmem>>, vector<1x1x128xf32>
      tpu.vector_store %arg11[%swap3A_367, %swap3A_368, %swap3A_369], %add3A_366 {strides = array<i32>} : memref<1x1x128xf32, #tpu.memory_space<vmem>>, vector<1x1x128xf32>,
    } else {
    }
    return
  }
  func.func @transform_0(%arg0: i32, %arg1: i32) -> (i32, i32, i32, i32) {
    %c0_i32 = arith.constant 0 : i32
    %c0_i32_0 = arith.constant 0 : i32
    %c0_i32_1 = arith.constant 0 : i32
    return %arg0, %c0_i32, %arg1, %c0_i32_0 : i32, i32, i32, i32
  }
  func.func @transform_1(%arg0: i32, %arg1: i32) -> (i32, i32, i32) {
    %c0_i32 = arith.constant 0 : i32
    %c0_i32_0 = arith.constant 0 : i32
    return %arg0, %arg1, %c0_i32 : i32, i32, i32
  }
  func.func @transform_2(%arg0: i32, %arg1: i32) -> (i32, i32, i32) {
    %c0_i32 = arith.constant 0 : i32
    %c0_i32_0 = arith.constant 0 : i32
    return %arg0, %arg1, %c0_i32 : i32, i32, i32
  }
  func.func @transform_3(%arg0: i32, %arg1: i32) -> (i32, i32, i32) {
    %c0_i32 = arith.constant 0 : i32
    %c0_i32_0 = arith.constant 0 : i32
    return %arg0, %arg1, %c0_i32 : i32, i32, i32
  }
  func.func @transform_4(%arg0: i32, %arg1: i32) -> (i32, i32, i32) {
    %c0_i32 = arith.constant 0 : i32
    %c0_i32_0 = arith.constant 0 : i32
    return %arg0, %arg1, %c0_i32 : i32, i32, i32
  }
  func.func @transform_5(%arg0: i32, %arg1: i32) -> (i32, i32, i32) {
    %c0_i32 = arith.constant 0 : i32
    %c0_i32_0 = arith.constant 0 : i32
    return %arg0, %arg1, %c0_i32 : i32, i32, i32
  }
  func.func @transform_6(%arg0: i32, %arg1: i32) -> (i32, i32, i32) {
    %c0_i32 = arith.constant 0 : i32
    %c0_i32_0 = arith.constant 0 : i32
    return %arg0, %arg1, %c0_i32 : i32, i32, i32
  }
  func.func @transform_7(%arg0: i32, %arg1: i32) -> (i32, i32, i32) {
    %c0_i32 = arith.constant 0 : i32
    %c0_i32_0 = arith.constant 0 : i32
    return %arg0, %arg1, %c0_i32 : i32, i32, i32
  }
  func.func @transform_8(%arg0: i32, %arg1: i32) -> (i32, i32, i32) {
    %c0_i32 = arith.constant 0 : i32
    %c0_i32_0 = arith.constant 0 : i32
    return %arg0, %arg1, %c0_i32 : i32, i32, i32
  }
  func.func @transform_9(%arg0: i32, %arg1: i32) -> (i32, i32, i32) {
    %c0_i32 = arith.constant 0 : i32
    %c0_i32_0 = arith.constant 0 : i32
    %c0_i32_1 = arith.constant 0 : i32
    return %arg0, %c0_i32, %c0_i32_0 : i32, i32, i32
  }
  func.func @transform_10(%arg0: i32, %arg1: i32) -> (i32, i32, i32) {
    %c0_i32 = arith.constant 0 : i32
    %c0_i32_0 = arith.constant 0 : i32
    return %arg0, %arg1, %c0_i32 : i32, i32, i32
  }
}

</mosaic_0001>

<sc_bundles>
// kernel: kernel.4.cloned.1.call-start
scs
__scs_entry_jumppad:
0x0: {  	(pc) =	sbr.rel $0x88, $3  }
0x1: {  	(tag) =	ssettag $0x0;
	lr =	simm.s32 $0x1  }
0x2: {  	[smem:$0x3F98] =	sst lr;
	_ =	strace $0xD0000000  }
0x3: {  	_ = 	snop  }
0x4: {  	_ = 	snop  }
0x5: {  	_ = 	snop  }
0x6: {  	_ = 	snop  }
0x7: {  	_ = 	snop  }
__scs_overlays_trampoline_lowered:
0x8: {  	[smem:$0x3FA7] =	sst s0  }
0x9: {  	[smem:$0x3FA8] =	sst s1  }
0xa: {  	[smem:$0x3FA9] =	sst s2  }
0xb: {  	[smem:$0x3FAA] =	sst s3  }
0xc: {  	[smem:$0x3FAB] =	sst s4  }
0xd: {  	[smem:$0x3FAC] =	sst s5  }
0xe: {  	[smem:$0x3FAD] =	sst s6  }
0xf: {  	[smem:$0x3FAE] =	sst s7  }
0x10: {  	[smem:$0x3FAF] =	sst s8  }
0x11: {  	[smem:$0x3FB0] =	sst s9;
	s0 =	simm.s32 @!p0 $0x0  }
0x12: {  	s1 =	sld [smem:$0x3F96];
	s0 =	simm.s32 @p0 $0x1  }
0x13: {  	[smem:$0x3FB1] =	sst s0;
	s0 =	simm.s32 @!p1 $0x0  }
0x14: {  	s2 =	sld [smem:$0x3F95];
	s0 =	simm.s32 @p1 $0x1  }
0x15: {  	[smem:$0x3FB2] =	sst s0;
	s0 =	simm.s32 @!p2 $0x0  }
0x16: {  	s3 =	sld [smem:$0x3FDB];
	s0 =	simm.s32 @p2 $0x1  }
0x17: {  	s4 =	simm.s32 $0x1BF5;
	[smem:$0x3FB4] =	sst s0  }
0x18: {  	s0 =	sld [smem:$0x3F97];
	_ =	swait.ge [sflag:s4], $0x0  }
0x19: {  	s7 =	sld [smem:$0x3F98]  }
0x1a: {  	s8 =	sadd.s32 $0xFFFFE003, lr  }
0x1b: {  	s9 =	sadd.s32 $0xFFFFFEF7, lr;
	s5 =	simm.s32 $0xFFFFFFFF;
	p2 =	slt.u32 s8, $0xFFFFF086  }
0x1c: {  	p1 =	slt.u32 s9, $0xF7A;
	s5 =	simm.s32 @!p2 $0x0  }
0x1d: {  	s5 =	simm.s32 @p1 $0x1;
	p0 =	seq.s32 s7, s2  }
0x1e: {  	s7 =	smul.u32 @!p0 $0xF7A, s2;
	p2 =	seq.s32 @!p0 s5, $0x0  }
0x1f: {  	s9 =	smul.u32 $0xF7A, s1;
	s8 =	simm.s32 @!p0 $0x1BF5;
	p2 =	por !p2, p0  }
0x20: {  	[sflag:s8] =	ssyncset.s32 @!p0 $0xFFFFF086;
	s6 =	sadd.s32 @!p0 s3, s7;
	s7 =	simm.s32 @!p0 $0x108  }
0x21: {  	s3 =	sadd.s32 s3, s9;
	s6 =	sadd.s32 @!p0 $0x88, s6;
	s7 =	simm.s32 @p2 $0x1082  }
0x22: {  	[simem:s7], [sflag:s8] =	dma.local @!p0 [hbm:s6], $0xF7A  }
0x23: {  	s9 =	sor.u32 $0xD0000000, s2;
	s6 =	simm.s32 $0x108;
	_ =	swait.ge @!p0 [sflag:s8], $0x0  }
0x24: {  	s3 =	sadd.s32 $0x88, s3;
	s6 =	simm.s32 @!p1 $0x1082;
	[sflag:s4] =	ssyncset.s32 $0xFFFFF086  }
0x25: {  	[simem:s6], [sflag:s4] =	dma.local [hbm:s3], $0xF7A  }
0x26: {  	[smem:$0x3F98] =	sst s1;
	(tag) =	ssettag s2;
	_ =	strace s9  }
0x27: {  	s1 =	sld [smem:$0x3FA8]  }
0x28: {  	s2 =	sld [smem:$0x3FA9]  }
0x29: {  	s4 =	sld [smem:$0x3FAB]  }
0x2a: {  	p0 =	seq.s32 s5, $0x0;
	s5 =	sld [smem:$0x3FAC]  }
0x2b: {  	s6 =	sld [smem:$0x3FAD]  }
0x2c: {  	s7 =	sld [smem:$0x3FAE]  }
0x2d: {  	s3 =	simm.s32 $0x108;
	s8 =	sld [smem:$0x3FAF]  }
0x2e: {  	s3 =	simm.s32 @!p0 $0x1082;
	s9 =	sld [smem:$0x3FB0]  }
0x2f: {  	lr =	sadd.s32 s0, s3;
	s0 =	sld [smem:$0x3FA7]  }
0x30: {  	s3 =	sld [smem:$0x3FAA]  }
0x31: {  	[smem:$0x3FB3] =	sst s10  }
0x32: {  	s10 =	sld [smem:$0x3FB1];
	_ =	sdelay $0x3  }
0x33: {  	p0 =	seq.s32 s10, $0x1;
	s10 =	sld [smem:$0x3FB3];
	_ =	sdelay $0x3  }
0x34: {  	[smem:$0x3FB3] =	sst s10  }
0x35: {  	s10 =	sld [smem:$0x3FB2];
	_ =	sdelay $0x3  }
0x36: {  	p1 =	seq.s32 s10, $0x1;
	s10 =	sld [smem:$0x3FB3];
	_ =	sdelay $0x3  }
0x37: {  	[smem:$0x3FB3] =	sst s10  }
0x38: {  	s10 =	sld [smem:$0x3FB4]  }
0x39: {  	_ = 	snop;
	(pc) =	sbr.ind lr, $3  }
0x3a: {  	_ = 	snop  }
0x3b: {  	_ = 	snop  }
0x3c: {  	p2 =	seq.s32 s10, $0x1;
	s10 =	sld [smem:$0x3FB3]  }
0x3d: {  	_ =	shalt  }
0x3e: {  	_ =	shalt  }
0x3f: {  	_ =	shalt  }
0x40: {  	_ =	shalt  }
0x41: {  	_ =	shalt  }
0x42: {  	_ =	shalt  }
0x43: {  	_ =	shalt  }
0x44: {  	_ =	shalt  }
0x45: {  	_ =	shalt  }
0x46: {  	_ =	shalt  }
0x47: {  	_ =	shalt  }
0x48: {  	_ =	shalt  }
0x49: {  	_ =	shalt  }
0x4a: {  	_ =	shalt  }
0x4b: {  	_ =	shalt  }
0x4c: {  	_ =	shalt  }
0x4d: {  	_ =	shalt  }
0x4e: {  	_ =	shalt  }
0x4f: {  	_ =	shalt  }
0x50: {  	_ =	shalt  }
0x51: {  	_ =	shalt  }
0x52: {  	_ =	shalt  }
0x53: {  	_ =	shalt  }
0x54: {  	_ =	shalt  }
0x55: {  	_ =	shalt  }
0x56: {  	_ =	shalt  }
0x57: {  	_ =	shalt  }
0x58: {  	_ =	shalt  }
0x59: {  	_ =	shalt  }
0x5a: {  	_ =	shalt  }
0x5b: {  	_ =	shalt  }
0x5c: {  	_ =	shalt  }
0x5d: {  	_ =	shalt  }
0x5e: {  	_ =	shalt  }
0x5f: {  	_ =	shalt  }
0x60: {  	_ =	shalt  }
0x61: {  	_ =	shalt  }
0x62: {  	_ =	shalt  }
0x63: {  	_ =	shalt  }
0x64: {  	_ =	shalt  }
0x65: {  	_ =	shalt  }
0x66: {  	_ =	shalt  }
0x67: {  	_ =	shalt  }
0x68: {  	_ =	shalt  }
0x69: {  	_ =	shalt  }
0x6a: {  	_ =	shalt  }
0x6b: {  	_ =	shalt  }
0x6c: {  	_ =	shalt  }
0x6d: {  	_ =	shalt  }
0x6e: {  	_ =	shalt  }
0x6f: {  	_ =	shalt  }
0x70: {  	_ =	shalt  }
0x71: {  	_ =	shalt  }
0x72: {  	_ =	shalt  }
0x73: {  	_ =	shalt  }
0x74: {  	_ =	shalt  }
0x75: {  	_ =	shalt  }
0x76: {  	_ =	shalt  }
0x77: {  	_ =	shalt  }
0x78: {  	_ =	shalt  }
0x79: {  	_ =	shalt  }
0x7a: {  	_ =	shalt  }
0x7b: {  	_ =	shalt  }
0x7c: {  	_ =	shalt  }
0x7d: {  	_ =	shalt  }
0x7e: {  	_ =	shalt  }
0x7f: {  	_ =	shalt  }
0x80: {  	_ =	shalt  }
0x81: {  	_ =	shalt  }
0x82: {  	_ =	shalt  }
0x83: {  	_ =	shalt  }
0x84: {  	_ =	shalt  }
0x85: {  	_ =	shalt  }
0x86: {  	_ =	shalt  }
0x87: {  	_ =	shalt  }
.Lfunc_end0:
.L_simem_size_0:
called_computation_lowered:
.L_overlay_start_0:
0x88: {  	s2 =	sld [smem:$0x3FD9]  }
0x89: {  	s3 =	sld [smem:$0x3FFE];
	_ =	sdelay $0x1  }
0x8a: {  	s1 =	srdreg.scid  }
0x8b: {  	s0 =	sand.u32 $0x1, s1  }
0x8c: {  	s16 =	sshll.u32 s0, $0xA;
	s2 =	sadd.s32 s3, s2  }
0x8d: {  	s2 =	sadd.s32 s2, s16  }
0x8e: {  	[smem:$0x3FBF] =	sst s2  }
0x8f: {  	_ = 	snop  }
0x90: {  	(tm) =	ssettm $0x1  }
0x91: {  	s17 =	sld [smem:$0x3FFB];
	_ =	sdelay $0x3  }
0x92: {  	_ =	strace s17  }
0x93: {  	s2 =	sld [smem:$0x3FFC];
	_ =	sdelay $0x3  }
0x94: {  	_ =	strace s2  }
0x95: {  	s2 =	sld [smem:$0x3FFD];
	_ =	sdelay $0x3  }
0x96: {  	_ =	strace s2  }
0x97: {  	_ =	strace $0x8FFFFFFF  }
0x98: {  	s18 =	sld [smem:$0x3FDB];
	_ =	sdelay $0x1  }
0x99: {  	s19 =	simm.s32 $_scs_section_size  }
0x9a: {  	s4 =	simm.s32 $_size__tile_overlayer_lowered;
	s5 =	simm.s32 $_tile_overlayer_lowered  }
0x9b: {  	s22 =	simm.s32 $0x1BFF;
	s21 =	sshll.u32 s5, $0x1;
	s2 =	sadd.s32 s19, s18  }
0x9c: {  	s6 =	simm.s32 $0x0;
	s20 =	sshll.u32 s4, $0x1;
	s4 =	sadd.s32 s21, s2  }
0x9d: {  	[timem:s6], [sflag:s22] =	dma.local [hbm:s4], s20  }
0x9e: {  	_ =	swait.ge [sflag:s22], s20  }
0x9f: {  	s3 =	ssub.s32 $0x0, s20;
	[sflag:s22] =	ssyncset.done $0x0  }
0xa0: {  	[sflag:s22] =	ssyncadd.s32 s3;
	_ =	sdelay $0x1  }
0xa1: {  	s23 =	simm.s32 $0x1B8B  }
0xa2: {  	_ =	swait.ge [sflag:s23], $0x1  }
0xa3: {  	[sflag:s23] =	ssyncset.done $0x0  }
0xa4: {  	s25 =	simm.s32 $0x1B8E;
	s24 =	sld [smem:$0x3FFE];
	[sflag:s23] =	ssyncadd.s32 $0xFFFFFFFF  }
0xa5: {  	s26 =	simm.s32 $execute0_lowered;
	[smem:$0x3FD2] =	sst s25  }
0xa6: {  	s4 =	sshll.u32 s26, $0x1;
	_ =	strace $0x80000046;
	[dreg:$0x1] =	wrdreg $0xFFFFFFFF  }
0xa7: {  	s28 =	simm.s32 $_size_execute0_lowered;
	s2 =	sadd.s32 s2, s4;
	[dreg:$0x0] =	wrdreg $0x0  }
0xa8: {  	s4 =	sshll.u32 s28, $0x1;
	[dreg:$0x2] =	wrdreg s2  }
0xa9: {  	[dreg:$0x3] =	wrdreg s4  }
0xaa: {  	[dreg:$0x4] =	wrdreg $0xC0  }
0xab: {  	_ =	task [dreg:s6], $0x5FFFF  }
0xac: {  	[dreg:$0x1] =	wrdreg $0xFFFFFFFF  }
0xad: {  	[dreg:$0x0] =	wrdreg $0x60  }
0xae: {  	[dreg:$0x2] =	wrdreg s24  }
0xaf: {  	[dreg:$0x3] =	wrdreg $0x9  }
0xb0: {  	_ =	task.clear_ibuf [dreg:s6], $0x4FFFF;
	_ =	strace $0x90000046  }
0xb1: {  	s29 =	simm.s32 $0x9;
	_ =	strace $0x80000048  }
0xb2: {  	_ =	swait.ge [sflag:s29], $0x1  }
0xb3: {  	[sflag:s29] =	ssyncadd.s32 $0xFFFFFFFF  }
0xb4: {  	_ =	strace $0x90000048  }
0xb5: {  	_ =	sfence  }
0xb6: {  	s30 =	sld [smem:$0x0];
	_ =	sdelay $0x2  }
0xb7: {  	s31 =	sshll.u32 s1, $0xD;
	s1 =	sshrl.u32 s1, $0x2  }
0xb8: {  	s3 =	sand.u32 $0x4000, s31;
	s1 =	sadd.s32 s1, s30  }
0xb9: {  	s0 =	sor.u32 s3, s0;
	s1 =	sshll.u32 s1, $0x11  }
0xba: {  	s0 =	sor.u32 s1, s0  }
0xbb: {  	s0 =	sadd.s32 $0x8F2B, s0  }
0xbc: {  	[sflag:s0] =	ssyncadd.remote.s32 $0x1  }
0xbd: {  	_ =	sfence.sel $0xFFFF  }
0xbe: {  	[dreg:$0x0] =	wrdreg $0xFFFFFFFF;
	(pc) =	sbr.abs _section_cstart, $3  }
0xbf: {  	[dreg:$0x1] =	wrdreg $0xFFFFFFFF  }
0xc0: {  	_ =	task.clear_ibuf [dreg:s6], $0x2FFFF;
	_ =	strace $0x9FFFFFFF  }
0xc1: {  	(tm) =	ssettm $0x7FFFFFFF  }
tec
execute0_lowered:
.L_overlay_start_1:
0x0: {  	(tag) =	ssettag $0x1  }
0x1: {  	s1 =	srdreg.scid;
	s0 =	stileid.u32  }
0x2: {  	s3 =	rddreg [dreg:$0x0];
	s2 =	simm.s32 $0x0;
	s8 =	simm.s32 $0x4000  }
0x3: {  	s9 =	simm.s32 $0x4200;
	s4 =	sand.u32 $0x1, s1;
	s5 =	sshll.u32 s0, $0x1  }
0x4: {  	s10 =	simm.s32 $0x80;
	s11 =	simm.s32 $0x400;
	s5 =	sor.u32 s4, s5  }
0x5: {  	s1 =	rddreg [dreg:$0x1];
	s6 =	sshll.u32 s0, $0x7;
	s7 =	sshll.u32 s5, $0x4  }
0x6: {  	s12 =	simm.s32 $0x0;
	[smem:$0x7FF] =	sst s2;
	s6 =	sor.u32 s6, s7  }
0x7: {  	_ =	strace $0x80000047;
	s4 =	ssub.s32 $0x2, s4;
	s6 =	sand.u32 $0x670, s6  }
0x8: {  	s31 =	sshrl.u32 s4, $0x1;
	s5 =	sshll.u32 s5, $0xB;
	s6 =	sadd.s32 s6, s3  }
0x9: {  	s7 =	ssub.s32 s4, s31;
	s3 =	sadd.s32 s3, s5;
	s4 =	sadd.s32 $0x10000, s6  }
0xa: {  	v0 =	vimm.f32 $0.0e+00;
	v1 =	vimm.f32 $1.000000000e+00;
	s5 =	sadd.s32 $0x10800, s6;
	s6 =	smax.u32 s7, $0x1;
	s7 =	simm.s32 $0x1  }
.LBB2_1:
0xb: {  	[tilespmem:s2], [sflag:$0x1] =	stream.linear.gather [hbm4b:s3+s2], $0x4000, $0x38;
	[tilespmem:$0x4400] =	vst v63  }
0xc: {  	_ =	swait.ge [sflag:s7], $0x4000  }
0xd: {  	[sflag:s7] =	ssyncset.done $0x0  }
0xe: {  	s13 =	simm.s32 $0x4020;
	[sflag:s7] =	ssyncadd.s32 $0xFFFFC000  }
0xf: {  	[tilespmem:s13+$0xFFFFFFF0] =	vst v0  }
0x10: {  	[tilespmem:s13+$0x0] =	vst v0  }
0x11: {  	[tilespmem:s13+$0x10] =	vst v0  }
0x12: {  	s15 =	simm.s32 $0x4220;
	[tilespmem:s13+$0xFFFFFFE0] =	vst v0  }
0x13: {  	[tilespmem:s15+$0xFFFFFFF0] =	vst v0  }
0x14: {  	[tilespmem:s15+$0x0] =	vst v0  }
0x15: {  	[tilespmem:s15+$0x10] =	vst v0  }
0x16: {  	s16 =	simm.s32 $0x0;
	s14 =	simm.s32 $0x60;
	s17 =	simm.s32 $0x4060;
	[tilespmem:s15+$0xFFFFFFE0] =	vst v0  }
.LBB2_2:
0x17: {  	[tilespmem:s17+$0xFFFFFFF0] =	vst v0;
	s15 =	sadd.s32 $0x40, s15  }
0x18: {  	s16 =	sadd.s32 $0x4, s16;
	[tilespmem:s15+$0xFFFFFFF0] =	vst v0  }
0x19: {  	p0 =	slt.u32 s16, $0x1C;
	[tilespmem:s17+$0x0] =	vst v0  }
.Ltmp0:
0x1a: {  	[tilespmem:s15+$0x0] =	vst v0;
	(pc) =	sbr.rel @p0 .LBB2_2-.Ltmp0, $4  }
0x1b: {  	[tilespmem:s17+$0x10] =	vst v0  }
0x1c: {  	[tilespmem:s15+$0x10] =	vst v0  }
0x1d: {  	s13 =	simm.s32 $0x0;
	[tilespmem:s17+$0xFFFFFFE0] =	vst v0  }
0x1e: {  	s17 =	sadd.s32 $0x40, s17;
	[tilespmem:s15+$0xFFFFFFE0] =	vst v0  }
0x1f: {  	v2 =	vld [tilespmem:s14+$0xFFFFFFA0]  }
0x20: {  	v6 =	vld [tilespmem:s14+$0xFFFFFFC0]  }
0x21: {  	v15 =	vld [tilespmem:s14+$0x10]  }
0x22: {  	s15 =	sand.u32 $0x3FC0, s13;
	v16 =	vld [tilespmem:s14+$0x0]  }
0x23: {  	v3 =	vld [tilespmem:s15+$0x80]  }
0x24: {  	v24 =	vld [tilespmem:s14+$0xFFFFFFD0];
	_ =	sdelay $0x2  }
0x25: {  	v22 =	vunpack.i.l.bf16.f32 v2;
	v7 =	vunpack.i.u.bf16.f32 v6;
	v19 =	vunpack.i.u.bf16.f32 v15  }
0x26: {  	v25 =	vunpack.i.l.bf16.f32 v15;
	v20 =	vunpack.i.l.bf16.f32 v16;
	v14 =	vunpack.i.l.bf16.f32 v3  }
0x27: {  	v31 =	vunpack.i.l.bf16.f32 v24;
	v5 =	vmax.f32 v22, $0.0e+00;
	v4 =	vmax.f32 v14, $0.0e+00  }
0x28: {  	v28 =	vunpack.i.u.bf16.f32 v3;
	vm3 =	vge.f32 v22, $0.0e+00;
	v4 =	vmul.f32 $2.133333400e+01, v4  }
0x29: {  	v15 =	vmax.f32 v25, $0.0e+00;
	v27 =	vmax.f32 v20, $0.0e+00;
	v5 =	vmul.f32 $2.133333400e+01, v5  }
0x2a: {  	v9 =	vld [tilespmem:s14+$0x50];
	v30 =	vmax.f32 v31, $0.0e+00;
	vm5 =	vge.f32 v31, $0.0e+00;
	v4 =	vtrunc.f32 v4  }
0x2b: {  	v37 =	vmax.f32 v7, $0.0e+00;
	v5 =	vtrunc.f32 v5;
	v4 =	vcvt.f32.s32 v4  }
0x2c: {  	vm4 =	vge.f32 v14, $0.0e+00;
	v8 =	vmax.f32 v28, $0.0e+00;
	v5 =	vcvt.f32.s32 v5  }
0x2d: {  	v21 =	vld [tilespmem:s14+$0xFFFFFFB0];
	v15 =	vmul.f32 $2.133333400e+01, v15;
	v30 =	vmul.f32 $2.133333400e+01, v30;
	vm1 =	vlt.s32 v4, $0x1FF  }
0x2e: {  	vm0 =	vlt.s32 v5, $0x1FF;
	v23 =	vnsel vm1, $0x1FF, v4;
	v4 =	vunpack.i.u.bf16.f32 v2  }
0x2f: {  	v26 =	vnsel vm0, $0x1FF, v5;
	v2 =	vunpack.i.u.bf16.f32 v9;
	v5 =	vmax.f32 v4, $0.0e+00  }
0x30: {  	v11 =	vld [tilespmem:s14+$0x40];
	v15 =	vtrunc.f32 v15;
	v3 =	vmax.f32 v2, $0.0e+00;
	v5 =	vmul.f32 $2.133333400e+01, v5  }
0x31: {  	v13 =	vld [tilespmem:s14+$0x30];
	vm2 =	vge.f32 v28, $0.0e+00;
	v34 =	vcvt.f32.s32 v15;
	v10 =	vmul.f32 $2.133333400e+01, v3  }
0x32: {  	v15 =	vunpack.i.l.bf16.f32 v21;
	v3 =	vtrunc.f32 v5;
	v5 =	vmul.f32 $2.133333400e+01, v8  }
0x33: {  	v61 =	vmax.f32 v15, $0.0e+00;
	vm6 =	vlt.s32 v34, $0x1FF;
	v9 =	vunpack.i.l.bf16.f32 v9  }
0x34: {  	vm0 =	vge.f32 v4, $0.0e+00;
	v12 =	vcvt.f32.s32 v3;
	v3 =	vtrunc.f32 v5  }
0x35: {  	v18 =	vmax.f32 v9, $0.0e+00;
	v8 =	vunpack.i.u.bf16.f32 v11;
	[tilespmem:v23+s8+$0x0] =	vst.idx.add.f32.msk vm4, v1;
	v17 =	vcvt.f32.s32 v3  }
0x36: {  	v11 =	vunpack.i.l.bf16.f32 v11;
	v5 =	vunpack.i.l.bf16.f32 v13;
	[tilespmem:v23+s9+$0x0] =	vst.idx.add.f32.msk vm4, v14;
	vm4 =	vge.f32 v25, $0.0e+00  }
0x37: {  	v3 =	vunpack.i.u.bf16.f32 v13;
	v13 =	vmax.f32 v8, $0.0e+00;
	vm1 =	vlt.s32 v17, $0x1FF  }
0x38: {  	v29 =	vnsel vm1, $0x1FF, v17;
	v17 =	vunpack.i.u.bf16.f32 v16;
	v16 =	vmul.f32 $2.133333400e+01, v27  }
0x39: {  	v13 =	vmul.f32 $2.133333400e+01, v13;
	v27 =	vmul.f32 $2.133333400e+01, v18;
	v18 =	vmax.f32 v11, $0.0e+00  }
0x3a: {  	v33 =	vmul.f32 $2.133333400e+01, v18;
	v18 =	vunpack.i.l.bf16.f32 v6;
	v32 =	vtrunc.f32 v16  }
0x3b: {  	v35 =	vmax.f32 v17, $0.0e+00;
	v16 =	vtrunc.f32 v13;
	v13 =	vtrunc.f32 v30  }
0x3c: {  	v6 =	vunpack.i.u.bf16.f32 v21;
	v30 =	vtrunc.f32 v27;
	v35 =	vmul.f32 $2.133333400e+01, v35  }
0x3d: {  	v27 =	vmax.f32 v6, $0.0e+00;
	v36 =	vcvt.f32.s32 v13;
	v21 =	vtrunc.f32 v33  }
0x3e: {  	v13 =	vunpack.i.u.bf16.f32 v24;
	v24 =	vmax.f32 v19, $0.0e+00;
	v33 =	vmul.f32 $2.133333400e+01, v61  }
0x3f: {  	[tilespmem:v26+s8+$0x0] =	vst.idx.add.f32.msk vm3, v1;
	vm1 =	vge.f32 v20, $0.0e+00;
	v14 =	vmul.f32 $2.133333400e+01, v27;
	v24 =	vmul.f32 $2.133333400e+01, v24  }
0x40: {  	[tilespmem:v26+s9+$0x0] =	vst.idx.add.f32.msk vm3, v22;
	v63 =	vtrunc.f32 v35;
	vm7 =	vlt.s32 v36, $0x1FF;
	v23 =	vtrunc.f32 v33  }
0x41: {  	v14 =	vtrunc.f32 v14;
	[tilespmem:v29+s8+$0x0] =	vst.idx.add.f32.msk vm2, v1;
	v36 =	vnsel vm7, $0x1FF, v36;
	v62 =	vtrunc.f32 v24  }
0x42: {  	v27 =	vnsel vm6, $0x1FF, v34;
	v38 =	vcvt.f32.s32 v23;
	v24 =	vld [tilespmem:s14+$0xFFFFFFF0];
	v23 =	vcvt.f32.s32 v32  }
0x43: {  	v14 =	vcvt.f32.s32 v14;
	[tilespmem:v29+s9+$0x0] =	vst.idx.add.f32.msk vm2, v28;
	v28 =	vmax.f32 v18, $0.0e+00;
	v26 =	vcvt.f32.s32 v62  }
0x44: {  	v29 =	vcvt.f32.s32 v63;
	v33 =	vmul.f32 $2.133333400e+01, v28;
	v28 =	vld [tilespmem:s14+$0xFFFFFFE0];
	vm3 =	vlt.s32 v38, $0x1FF  }
0x45: {  	vm6 =	vlt.s32 v14, $0x1FF;
	v22 =	vnsel vm3, $0x1FF, v38;
	vm2 =	vlt.s32 v26, $0x1FF  }
0x46: {  	vm3 =	vlt.s32 v23, $0x1FF;
	v14 =	vnsel vm6, $0x1FF, v14;
	v26 =	vnsel vm2, $0x1FF, v26;
	[tilespmem:v36+s8+$0x0] =	vst.idx.add.f32.msk vm5, v1  }
0x47: {  	s16 =	simm.s32 $0xC0;
	s15 =	simm.s32 $0x0;
	vm2 =	vge.f32 v19, $0.0e+00;
	v32 =	vunpack.i.l.bf16.f32 v24;
	[tilespmem:v36+s9+$0x0] =	vst.idx.add.f32.msk vm5, v31;
	v31 =	vmul.f32 $2.133333400e+01, v37  }
.LBB2_4:
0x48: {  	s17 =	sand.u32 $0x3FC0, s16;
	s15 =	sadd.s32 $0xC, s15;
	v33 =	vtrunc.f32 v33;
	v34 =	vmax.f32 v32, $0.0e+00;
	v36 =	vnsel vm3, $0x1FF, v23;
	[tilespmem:v27+s8+$0x0] =	vst.idx.add.f32.msk vm4, v1;
	s14 =	sadd.s32 $0xC0, s14  }
0x49: {  	v23 =	vunpack.i.l.bf16.f32 v28;
	v35 =	vld [tilespmem:s17+$0x80];
	p0 =	slt.u32 s15, $0x3F0;
	v31 =	vtrunc.f32 v31;
	v34 =	vmul.f32 $2.133333400e+01, v34  }
0x4a: {  	vm3 =	vge.f32 v18, $0.0e+00;
	v33 =	vcvt.f32.s32 v33;
	v31 =	vcvt.f32.s32 v31;
	[tilespmem:v27+s9+$0x0] =	vst.idx.add.f32.msk vm4, v25  }
0x4b: {  	v27 =	vmax.f32 v23, $0.0e+00;
	vm4 =	vlt.s32 v29, $0x1FF;
	v25 =	vtrunc.f32 v34  }
0x4c: {  	vm5 =	vge.f32 v7, $0.0e+00;
	vm6 =	vlt.s32 v33, $0x1FF;
	vm8 =	vlt.s32 v31, $0x1FF  }
0x4d: {  	vm7 =	vge.f32 v15, $0.0e+00;
	v37 =	vnsel vm8, $0x1FF, v31;
	v31 =	vcvt.f32.s32 v25;
	[tilespmem:v36+s8+$0x0] =	vst.idx.add.f32.msk vm1, v1  }
0x4e: {  	v34 =	vmul.f32 $2.133333400e+01, v27;
	v39 =	vnsel vm4, $0x1FF, v29;
	v38 =	vnsel vm6, $0x1FF, v33;
	v25 =	vld [tilespmem:s14+$0xFFFFFFA0]  }
0x4f: {  	v40 =	vmax.f32 v13, $0.0e+00;
	v33 =	vunpack.i.u.bf16.f32 v24;
	v27 =	vld [tilespmem:s14+$0xFFFFFFC0];
	vm4 =	vlt.s32 v31, $0x1FF  }
0x50: {  	v34 =	vtrunc.f32 v34;
	v41 =	vnsel vm4, $0x1FF, v31;
	v31 =	vmax.f32 v33, $0.0e+00;
	[tilespmem:v36+s9+$0x0] =	vst.idx.add.f32.msk vm1, v20  }
0x51: {  	v29 =	vunpack.i.l.bf16.f32 v35;
	v20 =	vcvt.f32.s32 v34;
	v24 =	vld [tilespmem:s14+$0xFFFFFFD0];
	v31 =	vmul.f32 $2.133333400e+01, v31  }
0x52: {  	v42 =	vcvt.f32.s32 v30;
	v40 =	vmul.f32 $2.133333400e+01, v40;
	v36 =	vmax.f32 v29, $0.0e+00;
	v34 =	vld [tilespmem:s14+$0x0]  }
0x53: {  	vm8 =	vge.f32 v17, $0.0e+00;
	vm1 =	vlt.s32 v20, $0x1FF;
	v31 =	vtrunc.f32 v31;
	[tilespmem:v26+s8+$0x0] =	vst.idx.add.f32.msk vm2, v1  }
0x54: {  	vm10 =	vge.f32 v32, $0.0e+00;
	v30 =	vnsel vm1, $0x1FF, v20;
	v20 =	vcvt.f32.s32 v31;
	[tilespmem:v26+s9+$0x0] =	vst.idx.add.f32.msk vm2, v19  }
0x55: {  	vm1 =	vlt.s32 v42, $0x1FF;
	v26 =	vunpack.i.l.bf16.f32 v25;
	v19 =	vtrunc.f32 v40;
	[tilespmem:v38+s8+$0x0] =	vst.idx.add.f32.msk vm3, v1  }
0x56: {  	v28 =	vunpack.i.u.bf16.f32 v28;
	vm4 =	vge.f32 v33, $0.0e+00;
	vm2 =	vlt.s32 v20, $0x1FF  }
0x57: {  	v40 =	vmax.f32 v28, $0.0e+00;
	v19 =	vcvt.f32.s32 v19;
	v31 =	vld [tilespmem:s14+$0xFFFFFFB0];
	v20 =	vnsel vm2, $0x1FF, v20  }
0x58: {  	v42 =	vnsel vm1, $0x1FF, v42;
	v43 =	vmax.f32 v26, $0.0e+00;
	v40 =	vmul.f32 $2.133333400e+01, v40;
	v44 =	vld [tilespmem:s14+$0x50]  }
0x59: {  	vm6 =	vge.f32 v13, $0.0e+00;
	vm2 =	vge.f32 v6, $0.0e+00;
	vm1 =	vlt.s32 v19, $0x1FF;
	v45 =	vld [tilespmem:s14+$0x40]  }
0x5a: {  	v40 =	vtrunc.f32 v40;
	v19 =	vnsel vm1, $0x1FF, v19;
	vm1 =	vge.f32 v23, $0.0e+00;
	[tilespmem:v39+s8+$0x0] =	vst.idx.add.f32.msk vm8, v1  }
0x5b: {  	v43 =	vmul.f32 $2.133333400e+01, v43;
	v40 =	vcvt.f32.s32 v40;
	[tilespmem:v39+s9+$0x0] =	vst.idx.add.f32.msk vm8, v17;
	vm8 =	vge.f32 v11, $0.0e+00  }
0x5c: {  	vm9 =	vge.f32 v9, $0.0e+00;
	v17 =	vmul.f32 $2.133333400e+01, v36;
	[tilespmem:v38+s9+$0x0] =	vst.idx.add.f32.msk vm3, v18;
	v18 =	vcvt.f32.s32 v21  }
0x5d: {  	vm11 =	vlt.s32 v40, $0x1FF;
	v21 =	vtrunc.f32 v43;
	vm3 =	vge.f32 v28, $0.0e+00;
	[tilespmem:v41+s8+$0x0] =	vst.idx.add.f32.msk vm10, v1  }
0x5e: {  	v36 =	vnsel vm11, $0x1FF, v40;
	v21 =	vcvt.f32.s32 v21;
	v17 =	vtrunc.f32 v17;
	[tilespmem:v41+s9+$0x0] =	vst.idx.add.f32.msk vm10, v32  }
0x5f: {  	v16 =	vcvt.f32.s32 v16;
	v17 =	vcvt.f32.s32 v17;
	vm10 =	vlt.s32 v18, $0x1FF;
	[tilespmem:v22+s8+$0x0] =	vst.idx.add.f32.msk vm7, v1  }
0x60: {  	vm11 =	vge.f32 v8, $0.0e+00;
	vm12 =	vlt.s32 v21, $0x1FF;
	v18 =	vnsel vm10, $0x1FF, v18;
	[tilespmem:v37+s8+$0x0] =	vst.idx.add.f32.msk vm5, v1  }
0x61: {  	v32 =	vnsel vm12, $0x1FF, v21;
	vm10 =	vlt.s32 v17, $0x1FF;
	vm12 =	vlt.s32 v16, $0x1FF;
	v21 =	vld [tilespmem:s14+$0x10]  }
0x62: {  	v38 =	vnsel vm10, $0x1FF, v17;
	v17 =	vmax.f32 v5, $0.0e+00;
	v16 =	vnsel vm12, $0x1FF, v16;
	[tilespmem:v42+s8+$0x0] =	vst.idx.add.f32.msk vm9, v1  }
0x63: {  	vm10 =	vlt.s32 v12, $0x1FF;
	[tilespmem:v22+s9+$0x0] =	vst.idx.add.f32.msk vm7, v15;
	v15 =	vmul.f32 $2.133333400e+01, v17;
	v17 =	vmax.f32 v3, $0.0e+00  }
0x64: {  	v10 =	vtrunc.f32 v10;
	v12 =	vnsel vm10, $0x1FF, v12;
	v22 =	vld [tilespmem:s14+$0x30];
	v17 =	vmul.f32 $2.133333400e+01, v17  }
0x65: {  	v10 =	vcvt.f32.s32 v10;
	v15 =	vtrunc.f32 v15;
	[tilespmem:v18+s8+$0x0] =	vst.idx.add.f32.msk vm8, v1  }
0x66: {  	v15 =	vcvt.f32.s32 v15;
	v17 =	vtrunc.f32 v17;
	[tilespmem:v18+s9+$0x0] =	vst.idx.add.f32.msk vm8, v11  }
0x67: {  	vm7 =	vlt.s32 v10, $0x1FF;
	v11 =	vcvt.f32.s32 v17;
	[tilespmem:v16+s8+$0x0] =	vst.idx.add.f32.msk vm11, v1  }
0x68: {  	vm12 =	vge.f32 v2, $0.0e+00;
	vm10 =	vge.f32 v5, $0.0e+00;
	[tilespmem:v37+s9+$0x0] =	vst.idx.add.f32.msk vm5, v7;
	vm5 =	vlt.s32 v15, $0x1FF  }
0x69: {  	v17 =	vnsel vm7, $0x1FF, v10;
	[tilespmem:v12+s8+$0x0] =	vst.idx.add.f32.msk vm0, v1;
	v15 =	vnsel vm5, $0x1FF, v15;
	vm5 =	vlt.s32 v11, $0x1FF  }
0x6a: {  	[tilespmem:v16+s9+$0x0] =	vst.idx.add.f32.msk vm11, v8  }
0x6b: {  	v7 =	vunpack.i.u.bf16.f32 v27;
	v37 =	vnsel vm5, $0x1FF, v11;
	[tilespmem:v12+s9+$0x0] =	vst.idx.add.f32.msk vm0, v4;
	v4 =	vunpack.i.u.bf16.f32 v25  }
0x6c: {  	vm8 =	vge.f32 v3, $0.0e+00;
	v11 =	vunpack.i.u.bf16.f32 v44;
	v8 =	vmax.f32 v4, $0.0e+00;
	[tilespmem:v42+s9+$0x0] =	vst.idx.add.f32.msk vm9, v9  }
0x6d: {  	v35 =	vunpack.i.u.bf16.f32 v35;
	v9 =	vmax.f32 v11, $0.0e+00;
	v8 =	vmul.f32 $2.133333400e+01, v8;
	[tilespmem:v19+s8+$0x0] =	vst.idx.add.f32.msk vm6, v1  }
0x6e: {  	v12 =	vmax.f32 v35, $0.0e+00;
	vm9 =	vge.f32 v29, $0.0e+00;
	v10 =	vmul.f32 $2.133333400e+01, v9;
	[tilespmem:v17+s8+$0x0] =	vst.idx.add.f32.msk vm12, v1  }
0x6f: {  	v16 =	vmul.f32 $2.133333400e+01, v12;
	v9 =	vtrunc.f32 v8;
	v8 =	vunpack.i.u.bf16.f32 v45;
	[tilespmem:v17+s9+$0x0] =	vst.idx.add.f32.msk vm12, v2;
	v2 =	vmovc v11  }
0x70: {  	vm7 =	vge.f32 v26, $0.0e+00;
	vm5 =	vge.f32 v35, $0.0e+00;
	v12 =	vcvt.f32.s32 v9;
	[tilespmem:v15+s8+$0x0] =	vst.idx.add.f32.msk vm10, v1  }
0x71: {  	vm0 =	vge.f32 v4, $0.0e+00;
	v11 =	vtrunc.f32 v16;
	v9 =	vunpack.i.l.bf16.f32 v44;
	[tilespmem:v20+s8+$0x0] =	vst.idx.add.f32.msk vm4, v1  }
0x72: {  	v16 =	vcvt.f32.s32 v11;
	v11 =	vunpack.i.l.bf16.f32 v45;
	v18 =	vmax.f32 v9, $0.0e+00;
	[tilespmem:v19+s9+$0x0] =	vst.idx.add.f32.msk vm6, v13  }
0x73: {  	v17 =	vmax.f32 v8, $0.0e+00;
	v13 =	vunpack.i.u.bf16.f32 v22;
	[tilespmem:v15+s9+$0x0] =	vst.idx.add.f32.msk vm10, v5;
	v5 =	vunpack.i.l.bf16.f32 v22  }
0x74: {  	v25 =	vunpack.i.l.bf16.f32 v21;
	v19 =	vunpack.i.u.bf16.f32 v21;
	vm6 =	vlt.s32 v16, $0x1FF;
	[tilespmem:v20+s9+$0x0] =	vst.idx.add.f32.msk vm4, v33  }
0x75: {  	v15 =	vmax.f32 v25, $0.0e+00;
	v22 =	vnsel vm6, $0x1FF, v16;
	v20 =	vunpack.i.l.bf16.f32 v34;
	[tilespmem:v30+s8+$0x0] =	vst.idx.add.f32.msk vm1, v1  }
0x76: {  	v21 =	vmul.f32 $2.133333400e+01, v17;
	v15 =	vmul.f32 $2.133333400e+01, v15;
	v16 =	vmax.f32 v20, $0.0e+00;
	[tilespmem:v37+s8+$0x0] =	vst.idx.add.f32.msk vm8, v1  }
0x77: {  	v17 =	vunpack.i.u.bf16.f32 v34;
	v33 =	vmul.f32 $2.133333400e+01, v18;
	v16 =	vmul.f32 $2.133333400e+01, v16;
	[tilespmem:v14+s8+$0x0] =	vst.idx.add.f32.msk vm2, v1  }
0x78: {  	v34 =	vunpack.i.l.bf16.f32 v24;
	v18 =	vmax.f32 v11, $0.0e+00;
	v15 =	vtrunc.f32 v15;
	[tilespmem:v38+s8+$0x0] =	vst.idx.add.f32.msk vm9, v1  }
0x79: {  	v39 =	vmax.f32 v34, $0.0e+00;
	v41 =	vmul.f32 $2.133333400e+01, v18;
	v40 =	vtrunc.f32 v16;
	[tilespmem:v30+s9+$0x0] =	vst.idx.add.f32.msk vm1, v23  }
0x7a: {  	v18 =	vunpack.i.l.bf16.f32 v27;
	v16 =	vtrunc.f32 v21;
	v23 =	vmul.f32 $2.133333400e+01, v39;
	[tilespmem:v38+s9+$0x0] =	vst.idx.add.f32.msk vm9, v29  }
0x7b: {  	v27 =	vunpack.i.u.bf16.f32 v31;
	vm1 =	vge.f32 v20, $0.0e+00;
	v29 =	vcvt.f32.s32 v15;
	[tilespmem:v37+s9+$0x0] =	vst.idx.add.f32.msk vm8, v3;
	v3 =	vmovc v13  }
0x7c: {  	vm6 =	vge.f32 v34, $0.0e+00;
	v13 =	vtrunc.f32 v23;
	v23 =	vmax.f32 v17, $0.0e+00;
	[tilespmem:v36+s8+$0x0] =	vst.idx.add.f32.msk vm3, v1  }
0x7d: {  	v30 =	vtrunc.f32 v33;
	v37 =	vcvt.f32.s32 v13;
	vm4 =	vlt.s32 v29, $0x1FF;
	[tilespmem:v22+s8+$0x0] =	vst.idx.add.f32.msk vm5, v1  }
0x7e: {  	v21 =	vtrunc.f32 v41;
	v15 =	vunpack.i.l.bf16.f32 v31;
	v31 =	vmax.f32 v27, $0.0e+00;
	[tilespmem:v14+s9+$0x0] =	vst.idx.add.f32.msk vm2, v6;
	v6 =	vmovc v27  }
0x7f: {  	v13 =	vunpack.i.u.bf16.f32 v24;
	v24 =	vmax.f32 v19, $0.0e+00;
	v14 =	vmax.f32 v15, $0.0e+00;
	[tilespmem:v36+s9+$0x0] =	vst.idx.add.f32.msk vm3, v28  }
0x80: {  	v24 =	vmul.f32 $2.133333400e+01, v24;
	vm2 =	vlt.s32 v37, $0x1FF;
	v14 =	vmul.f32 $2.133333400e+01, v14;
	[tilespmem:v32+s8+$0x0] =	vst.idx.add.f32.msk vm7, v1  }
0x81: {  	[tilespmem:v32+s9+$0x0] =	vst.idx.add.f32.msk vm7, v26;
	v26 =	vmul.f32 $2.133333400e+01, v31;
	v31 =	vnsel vm2, $0x1FF, v37;
	v32 =	vmul.f32 $2.133333400e+01, v23  }
0x82: {  	v36 =	vmax.f32 v7, $0.0e+00;
	v28 =	vtrunc.f32 v24;
	v14 =	vtrunc.f32 v14;
	[tilespmem:v22+s9+$0x0] =	vst.idx.add.f32.msk vm5, v35  }
0x83: {  	v27 =	vnsel vm4, $0x1FF, v29;
	v23 =	vcvt.f32.s32 v40;
	v14 =	vcvt.f32.s32 v14;
	v24 =	vld [tilespmem:s14+$0xFFFFFFF0]  }
0x84: {  	vm4 =	vge.f32 v25, $0.0e+00;
	v22 =	vtrunc.f32 v26;
	v26 =	vcvt.f32.s32 v28  }
.Ltmp1:
0x85: {  	v29 =	vtrunc.f32 v32;
	vm2 =	vlt.s32 v14, $0x1FF;
	v35 =	vcvt.f32.s32 v22;
	v28 =	vld [tilespmem:s14+$0xFFFFFFE0];
	(pc) =	sbr.rel @p0 .LBB2_4-.Ltmp1, $4  }
0x86: {  	v22 =	vnsel vm2, $0x1FF, v14;
	v14 =	vmax.f32 v18, $0.0e+00;
	vm2 =	vlt.s32 v26, $0x1FF;
	[tilespmem:v31+s8+$0x0] =	vst.idx.add.f32.msk vm6, v1  }
0x87: {  	vm5 =	vlt.s32 v35, $0x1FF;
	v33 =	vmul.f32 $2.133333400e+01, v14;
	v26 =	vnsel vm2, $0x1FF, v26;
	[tilespmem:v31+s9+$0x0] =	vst.idx.add.f32.msk vm6, v34  }
0x88: {  	vm3 =	vlt.s32 v23, $0x1FF;
	v29 =	vcvt.f32.s32 v29;
	v32 =	vunpack.i.l.bf16.f32 v24  }
0x89: {  	s16 =	sadd.s32 $0xC0, s16;
	vm2 =	vge.f32 v19, $0.0e+00;
	v14 =	vnsel vm5, $0x1FF, v35;
	v31 =	vmul.f32 $2.133333400e+01, v36  }
0x8a: {  	_ =	sdelay $0x3  }
0x8b: {  	v23 =	vnsel vm3, $0x1FF, v23  }
0x8c: {  	v33 =	vtrunc.f32 v33;
	[tilespmem:v27+s8+$0x0] =	vst.idx.add.f32.msk vm4, v1;
	vm12 =	vge.f32 v15, $0.0e+00  }
0x8d: {  	v34 =	vmax.f32 v32, $0.0e+00;
	vm15 =	vlt.s32 v29, $0x1FF;
	vm6 =	vge.f32 v17, $0.0e+00;
	[tilespmem:v27+s9+$0x0] =	vst.idx.add.f32.msk vm4, v25  }
0x8e: {  	v34 =	vmul.f32 $2.133333400e+01, v34;
	v33 =	vcvt.f32.s32 v33;
	v29 =	vnsel vm15, $0x1FF, v29;
	[tilespmem:v26+s8+$0x0] =	vst.idx.add.f32.msk vm2, v1  }
0x8f: {  	vm5 =	vge.f32 v18, $0.0e+00;
	v31 =	vtrunc.f32 v31;
	[tilespmem:v26+s9+$0x0] =	vst.idx.add.f32.msk vm2, v19  }
0x90: {  	v45 =	vcvt.f32.s32 v31;
	v34 =	vtrunc.f32 v34;
	vm14 =	vlt.s32 v33, $0x1FF;
	[tilespmem:v23+s8+$0x0] =	vst.idx.add.f32.msk vm1, v1  }
0x91: {  	v43 =	vnsel vm14, $0x1FF, v33;
	v44 =	vcvt.f32.s32 v34;
	[tilespmem:v23+s9+$0x0] =	vst.idx.add.f32.msk vm1, v20  }
0x92: {  	v47 =	vcvt.f32.s32 v30;
	vm13 =	vge.f32 v7, $0.0e+00;
	vm11 =	vlt.s32 v45, $0x1FF;
	[tilespmem:v22+s8+$0x0] =	vst.idx.add.f32.msk vm12, v1  }
0x93: {  	vm10 =	vge.f32 v32, $0.0e+00;
	vm9 =	vlt.s32 v44, $0x1FF;
	v20 =	vnsel vm11, $0x1FF, v45;
	[tilespmem:v29+s8+$0x0] =	vst.idx.add.f32.msk vm6, v1  }
0x94: {  	vm7 =	vlt.s32 v47, $0x1FF;
	vm1 =	vge.f32 v9, $0.0e+00;
	v46 =	vnsel vm9, $0x1FF, v44;
	[tilespmem:v22+s9+$0x0] =	vst.idx.add.f32.msk vm12, v15  }
0x95: {  	v49 =	vcvt.f32.s32 v21;
	v24 =	vunpack.i.u.bf16.f32 v24;
	v19 =	vnsel vm7, $0x1FF, v47;
	[tilespmem:v29+s9+$0x0] =	vst.idx.add.f32.msk vm6, v17  }
0x96: {  	v52 =	vmax.f32 v24, $0.0e+00;
	[tilespmem:v43+s8+$0x0] =	vst.idx.add.f32.msk vm5, v1  }
0x97: {  	vm15 =	vlt.s32 v49, $0x1FF;
	vm14 =	vge.f32 v11, $0.0e+00;
	v23 =	vmul.f32 $2.133333400e+01, v52;
	[tilespmem:v43+s9+$0x0] =	vst.idx.add.f32.msk vm5, v18  }
0x98: {  	v48 =	vunpack.i.l.bf16.f32 v28;
	v16 =	vcvt.f32.s32 v16;
	v17 =	vnsel vm15, $0x1FF, v49;
	[tilespmem:v20+s8+$0x0] =	vst.idx.add.f32.msk vm13, v1  }
0x99: {  	v51 =	vmax.f32 v13, $0.0e+00;
	v10 =	vtrunc.f32 v10;
	v55 =	vtrunc.f32 v23;
	[tilespmem:v46+s8+$0x0] =	vst.idx.add.f32.msk vm10, v1  }
0x9a: {  	vm4 =	vge.f32 v8, $0.0e+00;
	vm9 =	vlt.s32 v16, $0x1FF;
	v57 =	vcvt.f32.s32 v55;
	[tilespmem:v19+s8+$0x0] =	vst.idx.add.f32.msk vm1, v1  }
0x9b: {  	v53 =	vmax.f32 v5, $0.0e+00;
	v10 =	vcvt.f32.s32 v10;
	v16 =	vnsel vm9, $0x1FF, v16;
	[tilespmem:v20+s9+$0x0] =	vst.idx.add.f32.msk vm13, v7  }
0x9c: {  	v54 =	vmul.f32 $2.133333400e+01, v53;
	vm2 =	vge.f32 v24, $0.0e+00;
	vm8 =	vlt.s32 v57, $0x1FF;
	[tilespmem:v46+s9+$0x0] =	vst.idx.add.f32.msk vm10, v32  }
0x9d: {  	vm12 =	vlt.s32 v10, $0x1FF;
	vm13 =	vge.f32 v2, $0.0e+00;
	v7 =	vnsel vm8, $0x1FF, v57;
	[tilespmem:v17+s8+$0x0] =	vst.idx.add.f32.msk vm14, v1  }
0x9e: {  	vm3 =	vge.f32 v13, $0.0e+00;
	v10 =	vnsel vm12, $0x1FF, v10;
	v18 =	vmul.f32 $2.133333400e+01, v51;
	[tilespmem:v19+s9+$0x0] =	vst.idx.add.f32.msk vm1, v9  }
0x9f: {  	v58 =	vmax.f32 v3, $0.0e+00;
	v15 =	vtrunc.f32 v54;
	vm10 =	vlt.s32 v12, $0x1FF;
	[tilespmem:v17+s9+$0x0] =	vst.idx.add.f32.msk vm14, v11  }
0xa0: {  	v15 =	vcvt.f32.s32 v15;
	v18 =	vtrunc.f32 v18;
	v12 =	vnsel vm10, $0x1FF, v12;
	[tilespmem:v16+s8+$0x0] =	vst.idx.add.f32.msk vm4, v1  }
0xa1: {  	v50 =	vmax.f32 v48, $0.0e+00;
	v59 =	vmul.f32 $2.133333400e+01, v58;
	v18 =	vcvt.f32.s32 v18;
	[tilespmem:v16+s9+$0x0] =	vst.idx.add.f32.msk vm4, v8  }
0xa2: {  	v21 =	vmul.f32 $2.133333400e+01, v50;
	vm15 =	vlt.s32 v15, $0x1FF;
	vm14 =	vge.f32 v5, $0.0e+00;
	[tilespmem:v7+s8+$0x0] =	vst.idx.add.f32.msk vm2, v1  }
0xa3: {  	v15 =	vnsel vm15, $0x1FF, v15;
	vm11 =	vlt.s32 v18, $0x1FF;
	v8 =	vtrunc.f32 v59;
	[tilespmem:v10+s8+$0x0] =	vst.idx.add.f32.msk vm13, v1  }
0xa4: {  	v61 =	vunpack.i.u.bf16.f32 v28;
	v56 =	vnsel vm11, $0x1FF, v18;
	v8 =	vcvt.f32.s32 v8;
	[tilespmem:v7+s9+$0x0] =	vst.idx.add.f32.msk vm2, v24  }
0xa5: {  	v62 =	vmax.f32 v61, $0.0e+00;
	v60 =	vtrunc.f32 v21;
	[tilespmem:v12+s8+$0x0] =	vst.idx.add.f32.msk vm0, v1  }
0xa6: {  	vm12 =	vge.f32 v3, $0.0e+00;
	[tilespmem:v10+s9+$0x0] =	vst.idx.add.f32.msk vm13, v2;
	vm11 =	vlt.s32 v8, $0x1FF;
	vm13 =	vge.f32 v6, $0.0e+00  }
0xa7: {  	[tilespmem:v12+s9+$0x0] =	vst.idx.add.f32.msk vm0, v4;
	v4 =	vcvt.f32.s32 v60;
	v12 =	vmul.f32 $2.133333400e+01, v62;
	v8 =	vnsel vm11, $0x1FF, v8  }
0xa8: {  	[tilespmem:v15+s8+$0x0] =	vst.idx.add.f32.msk vm14, v1  }
0xa9: {  	[tilespmem:v56+s8+$0x0] =	vst.idx.add.f32.msk vm3, v1;
	vm9 =	vlt.s32 v4, $0x1FF;
	v63 =	vtrunc.f32 v12  }
0xaa: {  	vm10 =	vge.f32 v48, $0.0e+00;
	[tilespmem:v15+s9+$0x0] =	vst.idx.add.f32.msk vm14, v5;
	v2 =	vnsel vm9, $0x1FF, v4;
	v4 =	vcvt.f32.s32 v63  }
0xab: {  	[tilespmem:v56+s9+$0x0] =	vst.idx.add.f32.msk vm3, v13  }
0xac: {  	vm14 =	vge.f32 v61, $0.0e+00;
	vm15 =	vlt.s32 v4, $0x1FF;
	[tilespmem:v8+s8+$0x0] =	vst.idx.add.f32.msk vm12, v1  }
0xad: {  	[tilespmem:v14+s8+$0x0] =	vst.idx.add.f32.msk vm13, v1;
	v4 =	vnsel vm15, $0x1FF, v4  }
0xae: {  	[tilespmem:v8+s9+$0x0] =	vst.idx.add.f32.msk vm12, v3  }
0xaf: {  	[tilespmem:v14+s9+$0x0] =	vst.idx.add.f32.msk vm13, v6  }
0xb0: {  	[tilespmem:v2+s8+$0x0] =	vst.idx.add.f32.msk vm10, v1  }
0xb1: {  	[tilespmem:v2+s9+$0x0] =	vst.idx.add.f32.msk vm10, v48  }
0xb2: {  	[tilespmem:v4+s8+$0x0] =	vst.idx.add.f32.msk vm14, v1  }
0xb3: {  	[tilespmem:v4+s9+$0x0] =	vst.idx.add.f32.msk vm14, v61  }
.LBB2_6:
0xb4: {  	s14 =	sshra.s32 s13, $0x2  }
0xb5: {  	v2 =	vld [tilespmem:s14+$0x3FC0];
	_ =	sdelay $0x4  }
0xb6: {  	v3 =	vunpack.i.l.bf16.f32 v2  }
0xb7: {  	v4 =	vmax.f32 v3, $0.0e+00  }
0xb8: {  	v2 =	vunpack.i.u.bf16.f32 v2;
	v4 =	vmul.f32 $2.133333400e+01, v4  }
0xb9: {  	v5 =	vmax.f32 v2, $0.0e+00  }
0xba: {  	v5 =	vmul.f32 $2.133333400e+01, v5;
	v4 =	vtrunc.f32 v4  }
0xbb: {  	v4 =	vcvt.f32.s32 v4  }
0xbc: {  	v5 =	vtrunc.f32 v5  }
0xbd: {  	vm0 =	vge.f32 v3, $0.0e+00;
	v5 =	vcvt.f32.s32 v5;
	vm1 =	vlt.s32 v4, $0x1FF  }
0xbe: {  	v4 =	vnsel vm1, $0x1FF, v4  }
0xbf: {  	vm15 =	vge.f32 v2, $0.0e+00;
	vm2 =	vlt.s32 v5, $0x1FF  }
0xc0: {  	v5 =	vnsel vm2, $0x1FF, v5  }
0xc1: {  	p0 =	sne.s32 s13, $0xC0  }
.Ltmp2:
0xc2: {  	_ = 	snop;
	(pc) =	sbr.rel @p0 .LBB2_6-.Ltmp2, $4  }
0xc3: {  	[tilespmem:v4+s8+$0x0] =	vst.idx.add.f32.msk vm0, v1  }
0xc4: {  	[tilespmem:v4+s9+$0x0] =	vst.idx.add.f32.msk vm0, v3  }
0xc5: {  	[tilespmem:v5+s8+$0x0] =	vst.idx.add.f32.msk vm15, v1  }
0xc6: {  	s13 =	sadd.s32 $0x40, s13;
	[tilespmem:v5+s9+$0x0] =	vst.idx.add.f32.msk vm15, v2  }
0xc7: {  	[hbm4b:s4+s10] =	stream.strided.scatter [tilespmem:s8], [sflag:$0x1], $0x200, s11, s10, $0x38;
	[tilespmem:$0x4400] =	vst v63  }
0xc8: {  	s12 =	sadd.s32 $0x1, s12;
	_ =	swait.ge [sflag:s7], $0x200  }
0xc9: {  	p0 =	sne.s32 s12, s6;
	[sflag:s7] =	ssyncset.done $0x0  }
.Ltmp3:
0xca: {  	[sflag:s7] =	ssyncadd.s32 $0xFFFFFE00;
	(pc) =	sbr.rel @p0 .LBB2_1-.Ltmp3, $4  }
0xcb: {  	[hbm4b:s5+s10] =	stream.strided.scatter [tilespmem:s9], [sflag:$0x1], $0x200, s11, s10, $0x38;
	[tilespmem:$0x4400] =	vst v63  }
0xcc: {  	_ =	swait.ge [sflag:s7], $0x200  }
0xcd: {  	[sflag:s7] =	ssyncset.done $0x0  }
0xce: {  	[sflag:s7] =	ssyncadd.s32 $0xFFFFFE00  }
0xcf: {  	_ =	sfence.sel $0x180000  }
0xd0: {  	[bflag:$0x0] =	sbarrier.arrive $0xFFFF  }
0xd1: {  	p0 =	sne.s32 s0, $0x0;
	_ =	strace $0x90000047  }
0xd2: {  	s0 =	sadd.s32 @!p0 $0x100000, s1;
	[bflag:$0x2] =	sbarrier.arrive $0xFFFF  }
0xd3: {  	[sflag:s0] =	ssyncadd.tile.s32 @!p0 $0x1;
	_ =	shalt  }
.Lfunc_end2:
_tile_overlayer_lowered:
.L_overlay_start_2:
0xd4: {  	(tag) =	ssettag $0x2  }
0xd5: {  	s0 =	rddreg [dreg:$0x0];
	s2 =	stileid.u32  }
0xd6: {  	s1 =	rddreg [dreg:$0x1];
	p0 =	sne.s32 s2, $0x0  }
0xd7: {  	s3 =	rddreg [dreg:$0x2];
	[bflag:$0x3] =	sbarrier.arrive $0xFFFF;
	s2 =	simm.s32 @!p0 $0x1C01  }
0xd8: {  	[timem:s3], [sflag:s2] =	dma.local @!p0 [hbm:s0], s1  }
0xd9: {  	s0 =	simm.s32 @!p0 $0x1  }
0xda: {  	_ =	swait.ge @!p0 [sflag:s0], s1  }
0xdb: {  	s1 =	ssub.s32 @!p0 $0x0, s1;
	[sflag:s0] =	ssyncset.done @!p0 $0x0  }
0xdc: {  	[sflag:s0] =	ssyncadd.s32 @!p0 s1  }
0xdd: {  	[bflag:$0x3] =	sbarrier.arrive $0xFFFF  }
0xde: {  	_ =	shalt  }

</sc_bundles>
